<compile_context>
chip_gen: v7x
topology: tpu7x:2x2x1
jax: 0.10.2.dev20260603
libtpu: 0.0.44.dev20260713+nightly
codegen_flags: <defaults>
</compile_context>

<pallas_src>
import functools

import jax
import jax.numpy as jnp
from jax import lax
from jax.experimental import pallas as pl
from jax.experimental.pallas import tpu as pltpu
from jax.experimental.pallas import tpu_sc as plsc

N_DIRS = 32768
D_MODEL = 768
K = 32
BATCH = 128
N_TILE = 4096
N_GRID = N_DIRS // N_TILE
CW = 128
N_CHUNKS = N_DIRS // CW
TILE_CHUNKS = N_TILE // CW
NB = BATCH * K
NCAND = K * CW


def _a_body(x_ref, w_ref, pb_ref, lb_ref, pre_ref, gidx_ref, ch_ref, cmax_ref):
    i = pl.program_id(0)
    xc = x_ref[...] - pb_ref[...][None, :]
    acc = lax.dot_general(
        xc, w_ref[...],
        dimension_numbers=(((1,), (1,)), ((), ())),
        preferred_element_type=jnp.float32,
    )
    acc = acc + lb_ref[...][None, :]
    pre_ref[...] = acc
    cmax_ref[i] = jnp.max(acc.reshape(BATCH, TILE_CHUNKS, CW), axis=2)

    @pl.when(i == N_GRID - 1)
    def _():
        c = jnp.concatenate([cmax_ref[t] for t in range(N_GRID)], axis=1)
        iota = lax.broadcasted_iota(jnp.int32, (BATCH, N_CHUNKS), 1).astype(jnp.float32)
        rows = lax.broadcasted_iota(jnp.int32, (BATCH, 1), 0)
        cols = []
        for k in range(K):
            m = jnp.max(c, axis=1, keepdims=True)
            p = jnp.min(jnp.where(c == m, iota, jnp.float32(2**30)),
                        axis=1, keepdims=True)
            cols.append(p)
            c = jnp.where(iota == p, -jnp.inf, c)
        ch = jnp.concatenate(cols, axis=1).astype(jnp.int32)
        ch_ref[...] = ch
        gidx_ref[...] = ch + rows * N_CHUNKS


def _ce_body(cand_ref, ch_ref, pre_ref, val_ref, idx_ref, lat_ref, tau_scr):
    i = pl.program_id(0)

    @pl.when(i == 0)
    def _():
        cand = cand_ref[...]
        ch = ch_ref[...].astype(jnp.float32)
        lane = lax.broadcasted_iota(jnp.int32, (BATCH, CW), 1).astype(jnp.float32)
        gi = jnp.concatenate(
            [jnp.broadcast_to(ch[:, j:j + 1], (BATCH, CW)) * CW + lane
             for j in range(K)], axis=1)
        m = None
        vcols, icols = [], []
        for k in range(K):
            m = jnp.max(cand, axis=1, keepdims=True)
            p = jnp.min(jnp.where(cand == m, gi, jnp.float32(2**30)),
                        axis=1, keepdims=True)
            vcols.append(jnp.maximum(m, 0.0))
            icols.append(p)
            cand = jnp.where(gi == p, -jnp.inf, cand)
        val_ref[...] = jnp.concatenate(vcols, axis=1)
        idx_ref[...] = jnp.concatenate(icols, axis=1).astype(jnp.int32)
        tau_scr[...] = m

    pre = pre_ref[...]
    lat_ref[...] = jnp.where(pre >= tau_scr[...], jnp.maximum(pre, 0.0), 0.0)


def _sc_gather(pre_flat, gidx_flat):
    info = plsc.get_sparse_core_info()
    nw = info.num_cores * info.num_subcores
    b_per_w = NB // nw

    mesh = plsc.VectorSubcoreMesh(core_axis_name="c", subcore_axis_name="s")

    @functools.partial(
        pl.kernel, mesh=mesh,
        out_type=jax.ShapeDtypeStruct((NB, CW), jnp.float32),
        scratch_types=[
            pltpu.VMEM((b_per_w,), jnp.int32),
            pltpu.VMEM((b_per_w, CW), jnp.float32),
            pltpu.SemaphoreType.DMA,
        ],
    )
    def k(pre_hbm, g_hbm, cand_hbm, g_v, rows_v, sem):
        wid = lax.axis_index("s") * info.num_cores + lax.axis_index("c")
        base = wid * b_per_w
        pltpu.sync_copy(g_hbm.at[pl.ds(base, b_per_w)], g_v)
        pltpu.async_copy(pre_hbm.at[g_v], rows_v, sem).wait()
        pltpu.sync_copy(rows_v, cand_hbm.at[pl.ds(base, b_per_w)])

    return k(pre_flat, gidx_flat)


def kernel(x, W_enc, pre_bias, latent_bias):
    pre_act, gidx, ch = pl.pallas_call(
        _a_body,
        grid=(N_GRID,),
        in_specs=[
            pl.BlockSpec((BATCH, D_MODEL), lambda i: (0, 0)),
            pl.BlockSpec((N_TILE, D_MODEL), lambda i: (i, 0)),
            pl.BlockSpec((D_MODEL,), lambda i: (0,)),
            pl.BlockSpec((N_TILE,), lambda i: (i,)),
        ],
        out_specs=[
            pl.BlockSpec((BATCH, N_TILE), lambda i: (0, i)),
            pl.BlockSpec((BATCH, K), lambda i: (0, 0)),
            pl.BlockSpec((BATCH, K), lambda i: (0, 0)),
        ],
        out_shape=[
            jax.ShapeDtypeStruct((BATCH, N_DIRS), jnp.float32),
            jax.ShapeDtypeStruct((BATCH, K), jnp.int32),
            jax.ShapeDtypeStruct((BATCH, K), jnp.int32),
        ],
        scratch_shapes=[pltpu.VMEM((N_GRID, BATCH, TILE_CHUNKS), jnp.float32)],
    )(x, W_enc, pre_bias, latent_bias)

    pre_flat = pre_act.reshape(BATCH * N_CHUNKS, CW)
    gidx_flat = gidx.reshape(NB)

    cand = _sc_gather(pre_flat, gidx_flat)
    cand2 = _sc_gather(pre_flat, ch.reshape(NB))
    cand = (cand + 0 * cand2[:1, :1]).reshape(BATCH * NCAND).reshape(BATCH, NCAND)

    topk_values, topk_indices, latents = pl.pallas_call(
        _ce_body,
        grid=(N_GRID,),
        in_specs=[
            pl.BlockSpec((BATCH, NCAND), lambda i: (0, 0)),
            pl.BlockSpec((BATCH, K), lambda i: (0, 0)),
            pl.BlockSpec((BATCH, N_TILE), lambda i: (0, i)),
        ],
        out_specs=[
            pl.BlockSpec((BATCH, K), lambda i: (0, 0)),
            pl.BlockSpec((BATCH, K), lambda i: (0, 0)),
            pl.BlockSpec((BATCH, N_TILE), lambda i: (0, i)),
        ],
        out_shape=[
            jax.ShapeDtypeStruct((BATCH, K), jnp.float32),
            jax.ShapeDtypeStruct((BATCH, K), jnp.int32),
            jax.ShapeDtypeStruct((BATCH, N_DIRS), jnp.float32),
        ],
        scratch_shapes=[pltpu.VMEM((BATCH, 1), jnp.float32)],
    )(cand, ch, pre_act)

    return (latents, topk_values, topk_indices)

# --- scband reference (transcript-rebuilt; emitter-appended) ---
"""Pipeline reference for scband-ksparse-autoencoder-75866302316695 (READ-ONLY COPY).

The authoritative reference and input builder live on the scoring server;
editing this copy changes nothing except your own understanding.
"""

import jax, jax.numpy as jnp
import numpy as np

N_DIRS = 32768
D_MODEL = 768
K = 32
BATCH = 128


def setup_inputs(seed: int = 0) -> dict:
    key = jax.random.key(seed)
    k1, k2, k3 = jax.random.split(key, 3)
    x = jax.random.normal(k1, (BATCH, D_MODEL), dtype=jnp.float32)
    # torch.nn.Linear(d_model, n_dirs, bias=False).weight has shape [n_dirs, d_model]
    W_enc = jax.random.normal(k2, (N_DIRS, D_MODEL), dtype=jnp.float32) * (1.0 / np.sqrt(D_MODEL))
    pre_bias = jnp.zeros((D_MODEL,), dtype=jnp.float32)
    latent_bias = jnp.zeros((N_DIRS,), dtype=jnp.float32)
    return {"x": x, "W_enc": W_enc, "pre_bias": pre_bias, "latent_bias": latent_bias}


def reference(x, W_enc, pre_bias, latent_bias):
    # x = x - pre_bias
    xc = x - pre_bias
    # latents_pre_act = encoder(x) + latent_bias  (Linear: x @ W.T)
    latents_pre_act = xc @ W_enc.T + latent_bias
    # topk along last dim
    topk_values, topk_indices = jax.lax.top_k(latents_pre_act, K)
    topk_values = jax.nn.relu(topk_values)
    # scatter values back into zeros along last dim
    rows = jnp.arange(latents_pre_act.shape[0])[:, None]
    latents = jnp.zeros_like(latents_pre_act).at[rows, topk_indices].set(topk_values)
    return (latents, topk_values, topk_indices)

if __name__ == "__main__":
    import jax
    _d = setup_inputs()
    print(jax.jit(kernel)(*tuple(_d.values())))

</pallas_src>

<mosaic_0001>
#map = affine_map<(d0, d1) -> (0, 0)>
#map1 = affine_map<(d0, d1) -> (0)>
module attributes {stable_mosaic.version = 14 : i64} {
  func.func @k(%arg0: i32, %arg1: i32, %arg2: memref<32768x128xf32, #tpu.memory_space<hbm>>, %arg3: memref<4096xi32, #tpu.memory_space<hbm>>, %arg4: memref<4096x128xf32, #tpu.memory_space<hbm>>, %arg5: memref<128xi32, #tpu.memory_space<vmem>>, %arg6: memref<128x128xf32, #tpu.memory_space<vmem>>, %arg7: memref<!tpu.dma_semaphore, #tpu.memory_space<semaphore_mem>>) attributes {dimension_semantics = [#tpu.dimension_semantics<core_parallel>, #tpu.dimension_semantics<subcore_parallel>], iteration_bounds = array<i64: 2, 16>, scalar_prefetch = 0 : i64, scratch_operands = 3 : i64, tpu.core_type = #tpu.core_type<sc_vector_subcore>, window_params = [{transform_indices = #map}, {transform_indices = #map1}, {transform_indices = #map}]} {
    %mul3A = arith.constant 2 : i32
    %mul3A_0 = arith.muli %arg1, %mul3A : i32
    %add3A = arith.addi %mul3A_0, %arg0 : i32
    %mul3A_1 = arith.constant 128 : i32
    %mul3A_2 = arith.muli %add3A, %mul3A_1 : i32
    "tpu.region"() ({
      %run_scoped3A = tpu.sem_alloc : memref<!tpu.dma_semaphore, #tpu.memory_space<semaphore_mem>>
      %dma_start3A_7 = tpu.memref_slice %arg3[%mul3A_2] : memref<4096xi32, #tpu.memory_space<hbm>> -> memref<128xi32, #tpu.memory_space<hbm>>
      %dma_start3A_8 = tpu.memref_slice %arg3[%mul3A_2] : memref<4096xi32, #tpu.memory_space<hbm>> -> memref<128xi32, #tpu.memory_space<hbm>>
      tpu.enqueue_dma source(%dma_start3A_8 : memref<128xi32, #tpu.memory_space<hbm>>) target(%arg5 : memref<128xi32, #tpu.memory_space<vmem>>) target_semaphore(%run_scoped3A : memref<!tpu.dma_semaphore, #tpu.memory_space<semaphore_mem>>)
      %dma_wait3A_9 = tpu.memref_slice %arg3[%mul3A_2] : memref<4096xi32, #tpu.memory_space<hbm>> -> memref<128xi32, #tpu.memory_space<hbm>>
      %dma_wait3A_10 = tpu.memref_slice %arg3[%mul3A_2] : memref<4096xi32, #tpu.memory_space<hbm>> -> memref<128xi32, #tpu.memory_space<hbm>>
      tpu.wait_dma2 semaphore(%run_scoped3A : memref<!tpu.dma_semaphore, #tpu.memory_space<semaphore_mem>>) src(%dma_wait3A_10 : memref<128xi32, #tpu.memory_space<hbm>>) dst(%arg5 : memref<128xi32, #tpu.memory_space<vmem>>)
      tpu.yield
    }) : () -> ()
    %dma_start3A = arith.constant 0 : i32
    %dma_start3A_3 = arith.constant 0 : i32
    %dma_start3A_4 = tpu.memref_slice %arg2[%dma_start3A, %dma_start3A_3] : memref<32768x128xf32, #tpu.memory_space<hbm>> -> memref<32768x128xf32, #tpu.memory_space<hbm>>
    tpu.enqueue_indirect_dma source(%dma_start3A_4 : memref<32768x128xf32, #tpu.memory_space<hbm>>) target(%arg6 : memref<128x128xf32, #tpu.memory_space<vmem>>) offsets(%arg5 : memref<128xi32, #tpu.memory_space<vmem>>) semaphore(%arg7 : memref<!tpu.dma_semaphore, #tpu.memory_space<semaphore_mem>>)
    %dma_wait3A = arith.constant 0 : i32
    %dma_wait3A_5 = arith.constant 0 : i32
    %dma_wait3A_6 = tpu.memref_slice %arg2[%dma_wait3A, %dma_wait3A_5] : memref<32768x128xf32, #tpu.memory_space<hbm>> -> memref<32768x128xf32, #tpu.memory_space<hbm>>
    tpu.wait_indirect_dma semaphore(%arg7 : memref<!tpu.dma_semaphore, #tpu.memory_space<semaphore_mem>>) src(%dma_wait3A_6 : memref<32768x128xf32, #tpu.memory_space<hbm>>) dst(%arg6 : memref<128x128xf32, #tpu.memory_space<vmem>>)
    "tpu.region"() ({
      %run_scoped3A = tpu.sem_alloc : memref<!tpu.dma_semaphore, #tpu.memory_space<semaphore_mem>>
      %dma_start3A_7 = arith.constant 0 : i32
      %dma_start3A_8 = tpu.memref_slice %arg4[%mul3A_2, %dma_start3A_7] : memref<4096x128xf32, #tpu.memory_space<hbm>> -> memref<128x128xf32, #tpu.memory_space<hbm>>
      %dma_start3A_9 = arith.constant 0 : i32
      %dma_start3A_10 = tpu.memref_slice %arg4[%mul3A_2, %dma_start3A_9] : memref<4096x128xf32, #tpu.memory_space<hbm>> -> memref<128x128xf32, #tpu.memory_space<hbm>>
      tpu.enqueue_dma source(%arg6 : memref<128x128xf32, #tpu.memory_space<vmem>>) target(%dma_start3A_10 : memref<128x128xf32, #tpu.memory_space<hbm>>) target_semaphore(%run_scoped3A : memref<!tpu.dma_semaphore, #tpu.memory_space<semaphore_mem>>)
      %dma_wait3A_11 = arith.constant 0 : i32
      %dma_wait3A_12 = tpu.memref_slice %arg4[%mul3A_2, %dma_wait3A_11] : memref<4096x128xf32, #tpu.memory_space<hbm>> -> memref<128x128xf32, #tpu.memory_space<hbm>>
      %dma_wait3A_13 = arith.constant 0 : i32
      %dma_wait3A_14 = tpu.memref_slice %arg4[%mul3A_2, %dma_wait3A_13] : memref<4096x128xf32, #tpu.memory_space<hbm>> -> memref<128x128xf32, #tpu.memory_space<hbm>>
      tpu.wait_dma2 semaphore(%run_scoped3A : memref<!tpu.dma_semaphore, #tpu.memory_space<semaphore_mem>>) src(%arg6 : memref<128x128xf32, #tpu.memory_space<vmem>>) dst(%dma_wait3A_14 : memref<128x128xf32, #tpu.memory_space<hbm>>)
      tpu.yield
    }) : () -> ()
    return
  }
}

#map = affine_map<(d0, d1) -> (0, 0)>
#map1 = affine_map<(d0, d1) -> (0)>
module attributes {stable_mosaic.version = 14 : i64} {
  func.func @k(%arg0: i32, %arg1: i32, %arg2: memref<32768x128xf32, #tpu.memory_space<hbm>>, %arg3: memref<4096xi32, #tpu.memory_space<hbm>>, %arg4: memref<4096x128xf32, #tpu.memory_space<hbm>>, %arg5: memref<128xi32, #tpu.memory_space<vmem>>, %arg6: memref<128x128xf32, #tpu.memory_space<vmem>>, %arg7: memref<!tpu.dma_semaphore, #tpu.memory_space<semaphore_mem>>) attributes {dimension_semantics = [#tpu.dimension_semantics<core_parallel>, #tpu.dimension_semantics<subcore_parallel>], iteration_bounds = array<i64: 2, 16>, scalar_prefetch = 0 : i64, scratch_operands = 3 : i64, tpu.core_type = #tpu.core_type<sc_vector_subcore>, window_params = [{transform_indices = #map}, {transform_indices = #map1}, {transform_indices = #map}]} {
    %mul3A = arith.constant 2 : i32
    %mul3A_0 = arith.muli %arg1, %mul3A : i32
    %add3A = arith.addi %mul3A_0, %arg0 : i32
    %mul3A_1 = arith.constant 128 : i32
    %mul3A_2 = arith.muli %add3A, %mul3A_1 : i32
    "tpu.region"() ({
      %run_scoped3A = tpu.sem_alloc : memref<!tpu.dma_semaphore, #tpu.memory_space<semaphore_mem>>
      %dma_start3A_7 = tpu.memref_slice %arg3[%mul3A_2] : memref<4096xi32, #tpu.memory_space<hbm>> -> memref<128xi32, #tpu.memory_space<hbm>>
      %dma_start3A_8 = tpu.memref_slice %arg3[%mul3A_2] : memref<4096xi32, #tpu.memory_space<hbm>> -> memref<128xi32, #tpu.memory_space<hbm>>
      tpu.enqueue_dma source(%dma_start3A_8 : memref<128xi32, #tpu.memory_space<hbm>>) target(%arg5 : memref<128xi32, #tpu.memory_space<vmem>>) target_semaphore(%run_scoped3A : memref<!tpu.dma_semaphore, #tpu.memory_space<semaphore_mem>>)
      %dma_wait3A_9 = tpu.memref_slice %arg3[%mul3A_2] : memref<4096xi32, #tpu.memory_space<hbm>> -> memref<128xi32, #tpu.memory_space<hbm>>
      %dma_wait3A_10 = tpu.memref_slice %arg3[%mul3A_2] : memref<4096xi32, #tpu.memory_space<hbm>> -> memref<128xi32, #tpu.memory_space<hbm>>
      tpu.wait_dma2 semaphore(%run_scoped3A : memref<!tpu.dma_semaphore, #tpu.memory_space<semaphore_mem>>) src(%dma_wait3A_10 : memref<128xi32, #tpu.memory_space<hbm>>) dst(%arg5 : memref<128xi32, #tpu.memory_space<vmem>>)
      tpu.yield
    }) : () -> ()
    %dma_start3A = arith.constant 0 : i32
    %dma_start3A_3 = arith.constant 0 : i32
    %dma_start3A_4 = tpu.memref_slice %arg2[%dma_start3A, %dma_start3A_3] : memref<32768x128xf32, #tpu.memory_space<hbm>> -> memref<32768x128xf32, #tpu.memory_space<hbm>>
    tpu.enqueue_indirect_dma source(%dma_start3A_4 : memref<32768x128xf32, #tpu.memory_space<hbm>>) target(%arg6 : memref<128x128xf32, #tpu.memory_space<vmem>>) offsets(%arg5 : memref<128xi32, #tpu.memory_space<vmem>>) semaphore(%arg7 : memref<!tpu.dma_semaphore, #tpu.memory_space<semaphore_mem>>)
    %dma_wait3A = arith.constant 0 : i32
    %dma_wait3A_5 = arith.constant 0 : i32
    %dma_wait3A_6 = tpu.memref_slice %arg2[%dma_wait3A, %dma_wait3A_5] : memref<32768x128xf32, #tpu.memory_space<hbm>> -> memref<32768x128xf32, #tpu.memory_space<hbm>>
    tpu.wait_indirect_dma semaphore(%arg7 : memref<!tpu.dma_semaphore, #tpu.memory_space<semaphore_mem>>) src(%dma_wait3A_6 : memref<32768x128xf32, #tpu.memory_space<hbm>>) dst(%arg6 : memref<128x128xf32, #tpu.memory_space<vmem>>)
    "tpu.region"() ({
      %run_scoped3A = tpu.sem_alloc : memref<!tpu.dma_semaphore, #tpu.memory_space<semaphore_mem>>
      %dma_start3A_7 = arith.constant 0 : i32
      %dma_start3A_8 = tpu.memref_slice %arg4[%mul3A_2, %dma_start3A_7] : memref<4096x128xf32, #tpu.memory_space<hbm>> -> memref<128x128xf32, #tpu.memory_space<hbm>>
      %dma_start3A_9 = arith.constant 0 : i32
      %dma_start3A_10 = tpu.memref_slice %arg4[%mul3A_2, %dma_start3A_9] : memref<4096x128xf32, #tpu.memory_space<hbm>> -> memref<128x128xf32, #tpu.memory_space<hbm>>
      tpu.enqueue_dma source(%arg6 : memref<128x128xf32, #tpu.memory_space<vmem>>) target(%dma_start3A_10 : memref<128x128xf32, #tpu.memory_space<hbm>>) target_semaphore(%run_scoped3A : memref<!tpu.dma_semaphore, #tpu.memory_space<semaphore_mem>>)
      %dma_wait3A_11 = arith.constant 0 : i32
      %dma_wait3A_12 = tpu.memref_slice %arg4[%mul3A_2, %dma_wait3A_11] : memref<4096x128xf32, #tpu.memory_space<hbm>> -> memref<128x128xf32, #tpu.memory_space<hbm>>
      %dma_wait3A_13 = arith.constant 0 : i32
      %dma_wait3A_14 = tpu.memref_slice %arg4[%mul3A_2, %dma_wait3A_13] : memref<4096x128xf32, #tpu.memory_space<hbm>> -> memref<128x128xf32, #tpu.memory_space<hbm>>
      tpu.wait_dma2 semaphore(%run_scoped3A : memref<!tpu.dma_semaphore, #tpu.memory_space<semaphore_mem>>) src(%arg6 : memref<128x128xf32, #tpu.memory_space<vmem>>) dst(%dma_wait3A_14 : memref<128x128xf32, #tpu.memory_space<hbm>>)
      tpu.yield
    }) : () -> ()
    return
  }
}

module attributes {stable_mosaic.version = 14 : i64} {
  func.func @_a_body(%arg0: i32, %arg1: memref<128x768xf32, #tpu.memory_space<vmem>>, %arg2: memref<4096x768xf32, #tpu.memory_space<vmem>>, %arg3: memref<768xf32, #tpu.memory_space<vmem>>, %arg4: memref<4096xf32, #tpu.memory_space<vmem>>, %arg5: memref<128x4096xf32, #tpu.memory_space<vmem>>, %arg6: memref<128x32xi32, #tpu.memory_space<vmem>>, %arg7: memref<128x32xi32, #tpu.memory_space<vmem>>, %arg8: memref<8x128x32xf32, #tpu.memory_space<vmem>>) attributes {dimension_semantics = [#tpu.dimension_semantics<arbitrary>], iteration_bounds = array<i64: 8>, scalar_prefetch = 0 : i64, scratch_operands = 1 : i64, tpu.core_type = #tpu.core_type<tc>, window_params = [{pipeline_mode = #tpu.pipeline_mode<synchronous>, transform_indices = @transform_0, window_bounds = array<i64: 128, 768>}, {transform_indices = @transform_1, window_bounds = array<i64: 4096, 768>}, {pipeline_mode = #tpu.pipeline_mode<synchronous>, transform_indices = @transform_2, window_bounds = array<i64: 768>}, {transform_indices = @transform_3, window_bounds = array<i64: 4096>}, {transform_indices = @transform_4, window_bounds = array<i64: 128, 4096>}, {pipeline_mode = #tpu.pipeline_mode<synchronous>, transform_indices = @transform_5, window_bounds = array<i64: 128, 32>}, {pipeline_mode = #tpu.pipeline_mode<synchronous>, transform_indices = @transform_6, window_bounds = array<i64: 128, 32>}]} {
    %get3A = arith.constant 0 : index
    %get3A_0 = arith.constant 0 : index
    %get3A_1 = vector.load %arg1[%get3A, %get3A_0] : memref<128x768xf32, #tpu.memory_space<vmem>>, vector<128x768xf32>
    %get3A_2 = arith.constant 0 : index
    %get3A_3 = vector.load %arg3[%get3A_2] : memref<768xf32, #tpu.memory_space<vmem>>, vector<768xf32>
    %broadcast_in_dim3A = vector.shape_cast %get3A_3 : vector<768xf32> to vector<1x768xf32>
    %sub3A = vector.broadcast %broadcast_in_dim3A : vector<1x768xf32> to vector<128x768xf32>
    %sub3A_4 = arith.subf %get3A_1, %sub3A : vector<128x768xf32>
    %get3A_5 = arith.constant 0 : index
    %get3A_6 = arith.constant 0 : index
    %get3A_7 = vector.load %arg2[%get3A_5, %get3A_6] : memref<4096x768xf32, #tpu.memory_space<vmem>>, vector<4096x768xf32>
    %dot_general3A = arith.constant dense<0.000000e+00> : vector<128x4096xf32>
    %dot_general3A_8 = tpu.matmul %sub3A_4, %get3A_7, %dot_general3A {dimension_numbers = #tpu.dot_dimension_numbers<[1], [1], [0], [0], [0, 0, 1, 0], [], []>, transpose_lhs_hint = false} : vector<128x768xf32>, vector<4096x768xf32>, vector<128x4096xf32> -> vector<128x4096xf32>
    %get3A_9 = arith.constant 0 : index
    %get3A_10 = vector.load %arg4[%get3A_9] : memref<4096xf32, #tpu.memory_space<vmem>>, vector<4096xf32>
    %broadcast_in_dim3A_11 = vector.shape_cast %get3A_10 : vector<4096xf32> to vector<1x4096xf32>
    %add3A = vector.broadcast %broadcast_in_dim3A_11 : vector<1x4096xf32> to vector<128x4096xf32>
    %add3A_12 = arith.addf %dot_general3A_8, %add3A : vector<128x4096xf32>
    %swap3A = arith.constant 0 : index
    %swap3A_13 = arith.constant 0 : index
    %swap3A_14 = vector.load %arg5[%swap3A, %swap3A_13] : memref<128x4096xf32, #tpu.memory_space<vmem>>, vector<128x4096xf32>
    tpu.vector_store %arg5[%swap3A, %swap3A_13], %add3A_12 {strides = array<i32>} : memref<128x4096xf32, #tpu.memory_space<vmem>>, vector<128x4096xf32>,
    %reshape3A = vector.shape_cast %add3A_12 : vector<128x4096xf32> to vector<128x32x128xf32>
    %reduce_max3A = arith.constant dense<0xFF800000> : vector<128x32xf32>
    %reduce_max3A_15 = vector.multi_reduction <maximumf>, %reshape3A, %reduce_max3A [2] : vector<128x32x128xf32> to vector<128x32xf32>
    %swap3A_16 = arith.index_cast %arg0 : i32 to index
    %swap3A_17 = arith.constant 0 : index
    %swap3A_18 = arith.constant 0 : index
    %swap3A_19 = vector.load %arg8[%swap3A_16, %swap3A_17, %swap3A_18] : memref<8x128x32xf32, #tpu.memory_space<vmem>>, vector<1x128x32xf32>
    %swap3A_20 = vector.shape_cast %swap3A_19 : vector<1x128x32xf32> to vector<128x32xf32>
    %swap3A_21 = vector.shape_cast %reduce_max3A_15 : vector<128x32xf32> to vector<1x128x32xf32>
    tpu.vector_store %arg8[%swap3A_16, %swap3A_17, %swap3A_18], %swap3A_21 {strides = array<i32>} : memref<8x128x32xf32, #tpu.memory_space<vmem>>, vector<1x128x32xf32>,
    %eq3A = arith.constant 7 : i32
    %eq3A_22 = arith.cmpi eq, %arg0, %eq3A : i32
    %convert_element_type3A = arith.extui %eq3A_22 : i1 to i32
    %cond3A = arith.constant 0 : i32
    %cond3A_23 = arith.cmpi ne, %convert_element_type3A, %cond3A : i32
    scf.if %cond3A_23 {
      %get3A_24 = arith.constant 0 : index
      %get3A_25 = arith.constant 0 : index
      %get3A_26 = arith.constant 0 : index
      %get3A_27 = vector.load %arg8[%get3A_24, %get3A_25, %get3A_26] : memref<8x128x32xf32, #tpu.memory_space<vmem>>, vector<1x128x32xf32>
      %get3A_28 = vector.shape_cast %get3A_27 : vector<1x128x32xf32> to vector<128x32xf32>
      %get3A_29 = arith.constant 1 : index
      %get3A_30 = arith.constant 0 : index
      %get3A_31 = arith.constant 0 : index
      %get3A_32 = vector.load %arg8[%get3A_29, %get3A_30, %get3A_31] : memref<8x128x32xf32, #tpu.memory_space<vmem>>, vector<1x128x32xf32>
      %get3A_33 = vector.shape_cast %get3A_32 : vector<1x128x32xf32> to vector<128x32xf32>
      %get3A_34 = arith.constant 2 : index
      %get3A_35 = arith.constant 0 : index
      %get3A_36 = arith.constant 0 : index
      %get3A_37 = vector.load %arg8[%get3A_34, %get3A_35, %get3A_36] : memref<8x128x32xf32, #tpu.memory_space<vmem>>, vector<1x128x32xf32>
      %get3A_38 = vector.shape_cast %get3A_37 : vector<1x128x32xf32> to vector<128x32xf32>
      %get3A_39 = arith.constant 3 : index
      %get3A_40 = arith.constant 0 : index
      %get3A_41 = arith.constant 0 : index
      %get3A_42 = vector.load %arg8[%get3A_39, %get3A_40, %get3A_41] : memref<8x128x32xf32, #tpu.memory_space<vmem>>, vector<1x128x32xf32>
      %get3A_43 = vector.shape_cast %get3A_42 : vector<1x128x32xf32> to vector<128x32xf32>
      %get3A_44 = arith.constant 4 : index
      %get3A_45 = arith.constant 0 : index
      %get3A_46 = arith.constant 0 : index
      %get3A_47 = vector.load %arg8[%get3A_44, %get3A_45, %get3A_46] : memref<8x128x32xf32, #tpu.memory_space<vmem>>, vector<1x128x32xf32>
      %get3A_48 = vector.shape_cast %get3A_47 : vector<1x128x32xf32> to vector<128x32xf32>
      %get3A_49 = arith.constant 5 : index
      %get3A_50 = arith.constant 0 : index
      %get3A_51 = arith.constant 0 : index
      %get3A_52 = vector.load %arg8[%get3A_49, %get3A_50, %get3A_51] : memref<8x128x32xf32, #tpu.memory_space<vmem>>, vector<1x128x32xf32>
      %get3A_53 = vector.shape_cast %get3A_52 : vector<1x128x32xf32> to vector<128x32xf32>
      %get3A_54 = arith.constant 6 : index
      %get3A_55 = arith.constant 0 : index
      %get3A_56 = arith.constant 0 : index
      %get3A_57 = vector.load %arg8[%get3A_54, %get3A_55, %get3A_56] : memref<8x128x32xf32, #tpu.memory_space<vmem>>, vector<1x128x32xf32>
      %get3A_58 = vector.shape_cast %get3A_57 : vector<1x128x32xf32> to vector<128x32xf32>
      %get3A_59 = arith.constant 7 : index
      %get3A_60 = arith.constant 0 : index
      %get3A_61 = arith.constant 0 : index
      %get3A_62 = vector.load %arg8[%get3A_59, %get3A_60, %get3A_61] : memref<8x128x32xf32, #tpu.memory_space<vmem>>, vector<1x128x32xf32>
      %get3A_63 = vector.shape_cast %get3A_62 : vector<1x128x32xf32> to vector<128x32xf32>
      %concatenate3A = tpu.concatenate %get3A_28, %get3A_33, %get3A_38, %get3A_43, %get3A_48, %get3A_53, %get3A_58, %get3A_63 in 1 : vector<128x32xf32>, vector<128x32xf32>, vector<128x32xf32>, vector<128x32xf32>, vector<128x32xf32>, vector<128x32xf32>, vector<128x32xf32>, vector<128x32xf32> -> vector<128x256xf32>
      %iota3A = tpu.iota {dimensions = array<i32: 1>} : vector<128x256xi32>
      %convert_element_type3A_64 = arith.sitofp %iota3A : vector<128x256xi32> to vector<128x256xf32>
      %iota3A_65 = tpu.iota {dimensions = array<i32: 0>} : vector<128x1xi32>
      %reduce_max3A_66 = arith.constant dense<0xFF800000> : vector<128xf32>
      %reduce_max3A_67 = vector.multi_reduction <maximumf>, %concatenate3A, %reduce_max3A_66 [1] : vector<128x256xf32> to vector<128xf32>
      %broadcast_in_dim3A_68 = vector.shape_cast %reduce_max3A_67 : vector<128xf32> to vector<128x1xf32>
      %eq3A_69 = vector.broadcast %broadcast_in_dim3A_68 : vector<128x1xf32> to vector<128x256xf32>
      %eq3A_70 = arith.cmpf oeq, %concatenate3A, %eq3A_69 : vector<128x256xf32>
      %jit3A = arith.constant 1.07374182E+9 : f32
      %broadcast_in_dim3A_71 = vector.broadcast %jit3A : f32 to vector<128x256xf32>
      %select_n3A = arith.select %eq3A_70, %convert_element_type3A_64, %broadcast_in_dim3A_71 : vector<128x256xi1>, vector<128x256xf32>
      %reduce_min3A = arith.constant dense<0x7F800000> : vector<128xf32>
      %reduce_min3A_72 = vector.multi_reduction <minimumf>, %select_n3A, %reduce_min3A [1] : vector<128x256xf32> to vector<128xf32>
      %broadcast_in_dim3A_73 = vector.shape_cast %reduce_min3A_72 : vector<128xf32> to vector<128x1xf32>
      %eq3A_74 = vector.broadcast %broadcast_in_dim3A_73 : vector<128x1xf32> to vector<128x256xf32>
      %eq3A_75 = arith.cmpf oeq, %convert_element_type3A_64, %eq3A_74 : vector<128x256xf32>
      %jit3A_76 = arith.constant 0xFF800000 : f32
      %broadcast_in_dim3A_77 = vector.broadcast %jit3A_76 : f32 to vector<128x256xf32>
      %select_n3A_78 = arith.select %eq3A_75, %broadcast_in_dim3A_77, %concatenate3A : vector<128x256xi1>, vector<128x256xf32>
      %reduce_max3A_79 = arith.constant dense<0xFF800000> : vector<128xf32>
      %reduce_max3A_80 = vector.multi_reduction <maximumf>, %select_n3A_78, %reduce_max3A_79 [1] : vector<128x256xf32> to vector<128xf32>
      %broadcast_in_dim3A_81 = vector.shape_cast %reduce_max3A_80 : vector<128xf32> to vector<128x1xf32>
      %eq3A_82 = vector.broadcast %broadcast_in_dim3A_81 : vector<128x1xf32> to vector<128x256xf32>
      %eq3A_83 = arith.cmpf oeq, %select_n3A_78, %eq3A_82 : vector<128x256xf32>
      %jit3A_84 = arith.constant 1.07374182E+9 : f32
      %broadcast_in_dim3A_85 = vector.broadcast %jit3A_84 : f32 to vector<128x256xf32>
      %select_n3A_86 = arith.select %eq3A_83, %convert_element_type3A_64, %broadcast_in_dim3A_85 : vector<128x256xi1>, vector<128x256xf32>
      %reduce_min3A_87 = arith.constant dense<0x7F800000> : vector<128xf32>
      %reduce_min3A_88 = vector.multi_reduction <minimumf>, %select_n3A_86, %reduce_min3A_87 [1] : vector<128x256xf32> to vector<128xf32>
      %broadcast_in_dim3A_89 = vector.shape_cast %reduce_min3A_88 : vector<128xf32> to vector<128x1xf32>
      %eq3A_90 = vector.broadcast %broadcast_in_dim3A_89 : vector<128x1xf32> to vector<128x256xf32>
      %eq3A_91 = arith.cmpf oeq, %convert_element_type3A_64, %eq3A_90 : vector<128x256xf32>
      %jit3A_92 = arith.constant 0xFF800000 : f32
      %broadcast_in_dim3A_93 = vector.broadcast %jit3A_92 : f32 to vector<128x256xf32>
      %select_n3A_94 = arith.select %eq3A_91, %broadcast_in_dim3A_93, %select_n3A_78 : vector<128x256xi1>, vector<128x256xf32>
      %reduce_max3A_95 = arith.constant dense<0xFF800000> : vector<128xf32>
      %reduce_max3A_96 = vector.multi_reduction <maximumf>, %select_n3A_94, %reduce_max3A_95 [1] : vector<128x256xf32> to vector<128xf32>
      %broadcast_in_dim3A_97 = vector.shape_cast %reduce_max3A_96 : vector<128xf32> to vector<128x1xf32>
      %eq3A_98 = vector.broadcast %broadcast_in_dim3A_97 : vector<128x1xf32> to vector<128x256xf32>
      %eq3A_99 = arith.cmpf oeq, %select_n3A_94, %eq3A_98 : vector<128x256xf32>
      %jit3A_100 = arith.constant 1.07374182E+9 : f32
      %broadcast_in_dim3A_101 = vector.broadcast %jit3A_100 : f32 to vector<128x256xf32>
      %select_n3A_102 = arith.select %eq3A_99, %convert_element_type3A_64, %broadcast_in_dim3A_101 : vector<128x256xi1>, vector<128x256xf32>
      %reduce_min3A_103 = arith.constant dense<0x7F800000> : vector<128xf32>
      %reduce_min3A_104 = vector.multi_reduction <minimumf>, %select_n3A_102, %reduce_min3A_103 [1] : vector<128x256xf32> to vector<128xf32>
      %broadcast_in_dim3A_105 = vector.shape_cast %reduce_min3A_104 : vector<128xf32> to vector<128x1xf32>
      %eq3A_106 = vector.broadcast %broadcast_in_dim3A_105 : vector<128x1xf32> to vector<128x256xf32>
      %eq3A_107 = arith.cmpf oeq, %convert_element_type3A_64, %eq3A_106 : vector<128x256xf32>
      %jit3A_108 = arith.constant 0xFF800000 : f32
      %broadcast_in_dim3A_109 = vector.broadcast %jit3A_108 : f32 to vector<128x256xf32>
      %select_n3A_110 = arith.select %eq3A_107, %broadcast_in_dim3A_109, %select_n3A_94 : vector<128x256xi1>, vector<128x256xf32>
      %reduce_max3A_111 = arith.constant dense<0xFF800000> : vector<128xf32>
      %reduce_max3A_112 = vector.multi_reduction <maximumf>, %select_n3A_110, %reduce_max3A_111 [1] : vector<128x256xf32> to vector<128xf32>
      %broadcast_in_dim3A_113 = vector.shape_cast %reduce_max3A_112 : vector<128xf32> to vector<128x1xf32>
      %eq3A_114 = vector.broadcast %broadcast_in_dim3A_113 : vector<128x1xf32> to vector<128x256xf32>
      %eq3A_115 = arith.cmpf oeq, %select_n3A_110, %eq3A_114 : vector<128x256xf32>
      %jit3A_116 = arith.constant 1.07374182E+9 : f32
      %broadcast_in_dim3A_117 = vector.broadcast %jit3A_116 : f32 to vector<128x256xf32>
      %select_n3A_118 = arith.select %eq3A_115, %convert_element_type3A_64, %broadcast_in_dim3A_117 : vector<128x256xi1>, vector<128x256xf32>
      %reduce_min3A_119 = arith.constant dense<0x7F800000> : vector<128xf32>
      %reduce_min3A_120 = vector.multi_reduction <minimumf>, %select_n3A_118, %reduce_min3A_119 [1] : vector<128x256xf32> to vector<128xf32>
      %broadcast_in_dim3A_121 = vector.shape_cast %reduce_min3A_120 : vector<128xf32> to vector<128x1xf32>
      %eq3A_122 = vector.broadcast %broadcast_in_dim3A_121 : vector<128x1xf32> to vector<128x256xf32>
      %eq3A_123 = arith.cmpf oeq, %convert_element_type3A_64, %eq3A_122 : vector<128x256xf32>
      %jit3A_124 = arith.constant 0xFF800000 : f32
      %broadcast_in_dim3A_125 = vector.broadcast %jit3A_124 : f32 to vector<128x256xf32>
      %select_n3A_126 = arith.select %eq3A_123, %broadcast_in_dim3A_125, %select_n3A_110 : vector<128x256xi1>, vector<128x256xf32>
      %reduce_max3A_127 = arith.constant dense<0xFF800000> : vector<128xf32>
      %reduce_max3A_128 = vector.multi_reduction <maximumf>, %select_n3A_126, %reduce_max3A_127 [1] : vector<128x256xf32> to vector<128xf32>
      %broadcast_in_dim3A_129 = vector.shape_cast %reduce_max3A_128 : vector<128xf32> to vector<128x1xf32>
      %eq3A_130 = vector.broadcast %broadcast_in_dim3A_129 : vector<128x1xf32> to vector<128x256xf32>
      %eq3A_131 = arith.cmpf oeq, %select_n3A_126, %eq3A_130 : vector<128x256xf32>
      %jit3A_132 = arith.constant 1.07374182E+9 : f32
      %broadcast_in_dim3A_133 = vector.broadcast %jit3A_132 : f32 to vector<128x256xf32>
      %select_n3A_134 = arith.select %eq3A_131, %convert_element_type3A_64, %broadcast_in_dim3A_133 : vector<128x256xi1>, vector<128x256xf32>
      %reduce_min3A_135 = arith.constant dense<0x7F800000> : vector<128xf32>
      %reduce_min3A_136 = vector.multi_reduction <minimumf>, %select_n3A_134, %reduce_min3A_135 [1] : vector<128x256xf32> to vector<128xf32>
      %broadcast_in_dim3A_137 = vector.shape_cast %reduce_min3A_136 : vector<128xf32> to vector<128x1xf32>
      %eq3A_138 = vector.broadcast %broadcast_in_dim3A_137 : vector<128x1xf32> to vector<128x256xf32>
      %eq3A_139 = arith.cmpf oeq, %convert_element_type3A_64, %eq3A_138 : vector<128x256xf32>
      %jit3A_140 = arith.constant 0xFF800000 : f32
      %broadcast_in_dim3A_141 = vector.broadcast %jit3A_140 : f32 to vector<128x256xf32>
      %select_n3A_142 = arith.select %eq3A_139, %broadcast_in_dim3A_141, %select_n3A_126 : vector<128x256xi1>, vector<128x256xf32>
      %reduce_max3A_143 = arith.constant dense<0xFF800000> : vector<128xf32>
      %reduce_max3A_144 = vector.multi_reduction <maximumf>, %select_n3A_142, %reduce_max3A_143 [1] : vector<128x256xf32> to vector<128xf32>
      %broadcast_in_dim3A_145 = vector.shape_cast %reduce_max3A_144 : vector<128xf32> to vector<128x1xf32>
      %eq3A_146 = vector.broadcast %broadcast_in_dim3A_145 : vector<128x1xf32> to vector<128x256xf32>
      %eq3A_147 = arith.cmpf oeq, %select_n3A_142, %eq3A_146 : vector<128x256xf32>
      %jit3A_148 = arith.constant 1.07374182E+9 : f32
      %broadcast_in_dim3A_149 = vector.broadcast %jit3A_148 : f32 to vector<128x256xf32>
      %select_n3A_150 = arith.select %eq3A_147, %convert_element_type3A_64, %broadcast_in_dim3A_149 : vector<128x256xi1>, vector<128x256xf32>
      %reduce_min3A_151 = arith.constant dense<0x7F800000> : vector<128xf32>
      %reduce_min3A_152 = vector.multi_reduction <minimumf>, %select_n3A_150, %reduce_min3A_151 [1] : vector<128x256xf32> to vector<128xf32>
      %broadcast_in_dim3A_153 = vector.shape_cast %reduce_min3A_152 : vector<128xf32> to vector<128x1xf32>
      %eq3A_154 = vector.broadcast %broadcast_in_dim3A_153 : vector<128x1xf32> to vector<128x256xf32>
      %eq3A_155 = arith.cmpf oeq, %convert_element_type3A_64, %eq3A_154 : vector<128x256xf32>
      %jit3A_156 = arith.constant 0xFF800000 : f32
      %broadcast_in_dim3A_157 = vector.broadcast %jit3A_156 : f32 to vector<128x256xf32>
      %select_n3A_158 = arith.select %eq3A_155, %broadcast_in_dim3A_157, %select_n3A_142 : vector<128x256xi1>, vector<128x256xf32>
      %reduce_max3A_159 = arith.constant dense<0xFF800000> : vector<128xf32>
      %reduce_max3A_160 = vector.multi_reduction <maximumf>, %select_n3A_158, %reduce_max3A_159 [1] : vector<128x256xf32> to vector<128xf32>
      %broadcast_in_dim3A_161 = vector.shape_cast %reduce_max3A_160 : vector<128xf32> to vector<128x1xf32>
      %eq3A_162 = vector.broadcast %broadcast_in_dim3A_161 : vector<128x1xf32> to vector<128x256xf32>
      %eq3A_163 = arith.cmpf oeq, %select_n3A_158, %eq3A_162 : vector<128x256xf32>
      %jit3A_164 = arith.constant 1.07374182E+9 : f32
      %broadcast_in_dim3A_165 = vector.broadcast %jit3A_164 : f32 to vector<128x256xf32>
      %select_n3A_166 = arith.select %eq3A_163, %convert_element_type3A_64, %broadcast_in_dim3A_165 : vector<128x256xi1>, vector<128x256xf32>
      %reduce_min3A_167 = arith.constant dense<0x7F800000> : vector<128xf32>
      %reduce_min3A_168 = vector.multi_reduction <minimumf>, %select_n3A_166, %reduce_min3A_167 [1] : vector<128x256xf32> to vector<128xf32>
      %broadcast_in_dim3A_169 = vector.shape_cast %reduce_min3A_168 : vector<128xf32> to vector<128x1xf32>
      %eq3A_170 = vector.broadcast %broadcast_in_dim3A_169 : vector<128x1xf32> to vector<128x256xf32>
      %eq3A_171 = arith.cmpf oeq, %convert_element_type3A_64, %eq3A_170 : vector<128x256xf32>
      %jit3A_172 = arith.constant 0xFF800000 : f32
      %broadcast_in_dim3A_173 = vector.broadcast %jit3A_172 : f32 to vector<128x256xf32>
      %select_n3A_174 = arith.select %eq3A_171, %broadcast_in_dim3A_173, %select_n3A_158 : vector<128x256xi1>, vector<128x256xf32>
      %reduce_max3A_175 = arith.constant dense<0xFF800000> : vector<128xf32>
      %reduce_max3A_176 = vector.multi_reduction <maximumf>, %select_n3A_174, %reduce_max3A_175 [1] : vector<128x256xf32> to vector<128xf32>
      %broadcast_in_dim3A_177 = vector.shape_cast %reduce_max3A_176 : vector<128xf32> to vector<128x1xf32>
      %eq3A_178 = vector.broadcast %broadcast_in_dim3A_177 : vector<128x1xf32> to vector<128x256xf32>
      %eq3A_179 = arith.cmpf oeq, %select_n3A_174, %eq3A_178 : vector<128x256xf32>
      %jit3A_180 = arith.constant 1.07374182E+9 : f32
      %broadcast_in_dim3A_181 = vector.broadcast %jit3A_180 : f32 to vector<128x256xf32>
      %select_n3A_182 = arith.select %eq3A_179, %convert_element_type3A_64, %broadcast_in_dim3A_181 : vector<128x256xi1>, vector<128x256xf32>
      %reduce_min3A_183 = arith.constant dense<0x7F800000> : vector<128xf32>
      %reduce_min3A_184 = vector.multi_reduction <minimumf>, %select_n3A_182, %reduce_min3A_183 [1] : vector<128x256xf32> to vector<128xf32>
      %broadcast_in_dim3A_185 = vector.shape_cast %reduce_min3A_184 : vector<128xf32> to vector<128x1xf32>
      %eq3A_186 = vector.broadcast %broadcast_in_dim3A_185 : vector<128x1xf32> to vector<128x256xf32>
      %eq3A_187 = arith.cmpf oeq, %convert_element_type3A_64, %eq3A_186 : vector<128x256xf32>
      %jit3A_188 = arith.constant 0xFF800000 : f32
      %broadcast_in_dim3A_189 = vector.broadcast %jit3A_188 : f32 to vector<128x256xf32>
      %select_n3A_190 = arith.select %eq3A_187, %broadcast_in_dim3A_189, %select_n3A_174 : vector<128x256xi1>, vector<128x256xf32>
      %reduce_max3A_191 = arith.constant dense<0xFF800000> : vector<128xf32>
      %reduce_max3A_192 = vector.multi_reduction <maximumf>, %select_n3A_190, %reduce_max3A_191 [1] : vector<128x256xf32> to vector<128xf32>
      %broadcast_in_dim3A_193 = vector.shape_cast %reduce_max3A_192 : vector<128xf32> to vector<128x1xf32>
      %eq3A_194 = vector.broadcast %broadcast_in_dim3A_193 : vector<128x1xf32> to vector<128x256xf32>
      %eq3A_195 = arith.cmpf oeq, %select_n3A_190, %eq3A_194 : vector<128x256xf32>
      %jit3A_196 = arith.constant 1.07374182E+9 : f32
      %broadcast_in_dim3A_197 = vector.broadcast %jit3A_196 : f32 to vector<128x256xf32>
      %select_n3A_198 = arith.select %eq3A_195, %convert_element_type3A_64, %broadcast_in_dim3A_197 : vector<128x256xi1>, vector<128x256xf32>
      %reduce_min3A_199 = arith.constant dense<0x7F800000> : vector<128xf32>
      %reduce_min3A_200 = vector.multi_reduction <minimumf>, %select_n3A_198, %reduce_min3A_199 [1] : vector<128x256xf32> to vector<128xf32>
      %broadcast_in_dim3A_201 = vector.shape_cast %reduce_min3A_200 : vector<128xf32> to vector<128x1xf32>
      %eq3A_202 = vector.broadcast %broadcast_in_dim3A_201 : vector<128x1xf32> to vector<128x256xf32>
      %eq3A_203 = arith.cmpf oeq, %convert_element_type3A_64, %eq3A_202 : vector<128x256xf32>
      %jit3A_204 = arith.constant 0xFF800000 : f32
      %broadcast_in_dim3A_205 = vector.broadcast %jit3A_204 : f32 to vector<128x256xf32>
      %select_n3A_206 = arith.select %eq3A_203, %broadcast_in_dim3A_205, %select_n3A_190 : vector<128x256xi1>, vector<128x256xf32>
      %reduce_max3A_207 = arith.constant dense<0xFF800000> : vector<128xf32>
      %reduce_max3A_208 = vector.multi_reduction <maximumf>, %select_n3A_206, %reduce_max3A_207 [1] : vector<128x256xf32> to vector<128xf32>
      %broadcast_in_dim3A_209 = vector.shape_cast %reduce_max3A_208 : vector<128xf32> to vector<128x1xf32>
      %eq3A_210 = vector.broadcast %broadcast_in_dim3A_209 : vector<128x1xf32> to vector<128x256xf32>
      %eq3A_211 = arith.cmpf oeq, %select_n3A_206, %eq3A_210 : vector<128x256xf32>
      %jit3A_212 = arith.constant 1.07374182E+9 : f32
      %broadcast_in_dim3A_213 = vector.broadcast %jit3A_212 : f32 to vector<128x256xf32>
      %select_n3A_214 = arith.select %eq3A_211, %convert_element_type3A_64, %broadcast_in_dim3A_213 : vector<128x256xi1>, vector<128x256xf32>
      %reduce_min3A_215 = arith.constant dense<0x7F800000> : vector<128xf32>
      %reduce_min3A_216 = vector.multi_reduction <minimumf>, %select_n3A_214, %reduce_min3A_215 [1] : vector<128x256xf32> to vector<128xf32>
      %broadcast_in_dim3A_217 = vector.shape_cast %reduce_min3A_216 : vector<128xf32> to vector<128x1xf32>
      %eq3A_218 = vector.broadcast %broadcast_in_dim3A_217 : vector<128x1xf32> to vector<128x256xf32>
      %eq3A_219 = arith.cmpf oeq, %convert_element_type3A_64, %eq3A_218 : vector<128x256xf32>
      %jit3A_220 = arith.constant 0xFF800000 : f32
      %broadcast_in_dim3A_221 = vector.broadcast %jit3A_220 : f32 to vector<128x256xf32>
      %select_n3A_222 = arith.select %eq3A_219, %broadcast_in_dim3A_221, %select_n3A_206 : vector<128x256xi1>, vector<128x256xf32>
      %reduce_max3A_223 = arith.constant dense<0xFF800000> : vector<128xf32>
      %reduce_max3A_224 = vector.multi_reduction <maximumf>, %select_n3A_222, %reduce_max3A_223 [1] : vector<128x256xf32> to vector<128xf32>
      %broadcast_in_dim3A_225 = vector.shape_cast %reduce_max3A_224 : vector<128xf32> to vector<128x1xf32>
      %eq3A_226 = vector.broadcast %broadcast_in_dim3A_225 : vector<128x1xf32> to vector<128x256xf32>
      %eq3A_227 = arith.cmpf oeq, %select_n3A_222, %eq3A_226 : vector<128x256xf32>
      %jit3A_228 = arith.constant 1.07374182E+9 : f32
      %broadcast_in_dim3A_229 = vector.broadcast %jit3A_228 : f32 to vector<128x256xf32>
      %select_n3A_230 = arith.select %eq3A_227, %convert_element_type3A_64, %broadcast_in_dim3A_229 : vector<128x256xi1>, vector<128x256xf32>
      %reduce_min3A_231 = arith.constant dense<0x7F800000> : vector<128xf32>
      %reduce_min3A_232 = vector.multi_reduction <minimumf>, %select_n3A_230, %reduce_min3A_231 [1] : vector<128x256xf32> to vector<128xf32>
      %broadcast_in_dim3A_233 = vector.shape_cast %reduce_min3A_232 : vector<128xf32> to vector<128x1xf32>
      %eq3A_234 = vector.broadcast %broadcast_in_dim3A_233 : vector<128x1xf32> to vector<128x256xf32>
      %eq3A_235 = arith.cmpf oeq, %convert_element_type3A_64, %eq3A_234 : vector<128x256xf32>
      %jit3A_236 = arith.constant 0xFF800000 : f32
      %broadcast_in_dim3A_237 = vector.broadcast %jit3A_236 : f32 to vector<128x256xf32>
      %select_n3A_238 = arith.select %eq3A_235, %broadcast_in_dim3A_237, %select_n3A_222 : vector<128x256xi1>, vector<128x256xf32>
      %reduce_max3A_239 = arith.constant dense<0xFF800000> : vector<128xf32>
      %reduce_max3A_240 = vector.multi_reduction <maximumf>, %select_n3A_238, %reduce_max3A_239 [1] : vector<128x256xf32> to vector<128xf32>
      %broadcast_in_dim3A_241 = vector.shape_cast %reduce_max3A_240 : vector<128xf32> to vector<128x1xf32>
      %eq3A_242 = vector.broadcast %broadcast_in_dim3A_241 : vector<128x1xf32> to vector<128x256xf32>
      %eq3A_243 = arith.cmpf oeq, %select_n3A_238, %eq3A_242 : vector<128x256xf32>
      %jit3A_244 = arith.constant 1.07374182E+9 : f32
      %broadcast_in_dim3A_245 = vector.broadcast %jit3A_244 : f32 to vector<128x256xf32>
      %select_n3A_246 = arith.select %eq3A_243, %convert_element_type3A_64, %broadcast_in_dim3A_245 : vector<128x256xi1>, vector<128x256xf32>
      %reduce_min3A_247 = arith.constant dense<0x7F800000> : vector<128xf32>
      %reduce_min3A_248 = vector.multi_reduction <minimumf>, %select_n3A_246, %reduce_min3A_247 [1] : vector<128x256xf32> to vector<128xf32>
      %broadcast_in_dim3A_249 = vector.shape_cast %reduce_min3A_248 : vector<128xf32> to vector<128x1xf32>
      %eq3A_250 = vector.broadcast %broadcast_in_dim3A_249 : vector<128x1xf32> to vector<128x256xf32>
      %eq3A_251 = arith.cmpf oeq, %convert_element_type3A_64, %eq3A_250 : vector<128x256xf32>
      %jit3A_252 = arith.constant 0xFF800000 : f32
      %broadcast_in_dim3A_253 = vector.broadcast %jit3A_252 : f32 to vector<128x256xf32>
      %select_n3A_254 = arith.select %eq3A_251, %broadcast_in_dim3A_253, %select_n3A_238 : vector<128x256xi1>, vector<128x256xf32>
      %reduce_max3A_255 = arith.constant dense<0xFF800000> : vector<128xf32>
      %reduce_max3A_256 = vector.multi_reduction <maximumf>, %select_n3A_254, %reduce_max3A_255 [1] : vector<128x256xf32> to vector<128xf32>
      %broadcast_in_dim3A_257 = vector.shape_cast %reduce_max3A_256 : vector<128xf32> to vector<128x1xf32>
      %eq3A_258 = vector.broadcast %broadcast_in_dim3A_257 : vector<128x1xf32> to vector<128x256xf32>
      %eq3A_259 = arith.cmpf oeq, %select_n3A_254, %eq3A_258 : vector<128x256xf32>
      %jit3A_260 = arith.constant 1.07374182E+9 : f32
      %broadcast_in_dim3A_261 = vector.broadcast %jit3A_260 : f32 to vector<128x256xf32>
      %select_n3A_262 = arith.select %eq3A_259, %convert_element_type3A_64, %broadcast_in_dim3A_261 : vector<128x256xi1>, vector<128x256xf32>
      %reduce_min3A_263 = arith.constant dense<0x7F800000> : vector<128xf32>
      %reduce_min3A_264 = vector.multi_reduction <minimumf>, %select_n3A_262, %reduce_min3A_263 [1] : vector<128x256xf32> to vector<128xf32>
      %broadcast_in_dim3A_265 = vector.shape_cast %reduce_min3A_264 : vector<128xf32> to vector<128x1xf32>
      %eq3A_266 = vector.broadcast %broadcast_in_dim3A_265 : vector<128x1xf32> to vector<128x256xf32>
      %eq3A_267 = arith.cmpf oeq, %convert_element_type3A_64, %eq3A_266 : vector<128x256xf32>
      %jit3A_268 = arith.constant 0xFF800000 : f32
      %broadcast_in_dim3A_269 = vector.broadcast %jit3A_268 : f32 to vector<128x256xf32>
      %select_n3A_270 = arith.select %eq3A_267, %broadcast_in_dim3A_269, %select_n3A_254 : vector<128x256xi1>, vector<128x256xf32>
      %reduce_max3A_271 = arith.constant dense<0xFF800000> : vector<128xf32>
      %reduce_max3A_272 = vector.multi_reduction <maximumf>, %select_n3A_270, %reduce_max3A_271 [1] : vector<128x256xf32> to vector<128xf32>
      %broadcast_in_dim3A_273 = vector.shape_cast %reduce_max3A_272 : vector<128xf32> to vector<128x1xf32>
      %eq3A_274 = vector.broadcast %broadcast_in_dim3A_273 : vector<128x1xf32> to vector<128x256xf32>
      %eq3A_275 = arith.cmpf oeq, %select_n3A_270, %eq3A_274 : vector<128x256xf32>
      %jit3A_276 = arith.constant 1.07374182E+9 : f32
      %broadcast_in_dim3A_277 = vector.broadcast %jit3A_276 : f32 to vector<128x256xf32>
      %select_n3A_278 = arith.select %eq3A_275, %convert_element_type3A_64, %broadcast_in_dim3A_277 : vector<128x256xi1>, vector<128x256xf32>
      %reduce_min3A_279 = arith.constant dense<0x7F800000> : vector<128xf32>
      %reduce_min3A_280 = vector.multi_reduction <minimumf>, %select_n3A_278, %reduce_min3A_279 [1] : vector<128x256xf32> to vector<128xf32>
      %broadcast_in_dim3A_281 = vector.shape_cast %reduce_min3A_280 : vector<128xf32> to vector<128x1xf32>
      %eq3A_282 = vector.broadcast %broadcast_in_dim3A_281 : vector<128x1xf32> to vector<128x256xf32>
      %eq3A_283 = arith.cmpf oeq, %convert_element_type3A_64, %eq3A_282 : vector<128x256xf32>
      %jit3A_284 = arith.constant 0xFF800000 : f32
      %broadcast_in_dim3A_285 = vector.broadcast %jit3A_284 : f32 to vector<128x256xf32>
      %select_n3A_286 = arith.select %eq3A_283, %broadcast_in_dim3A_285, %select_n3A_270 : vector<128x256xi1>, vector<128x256xf32>
      %reduce_max3A_287 = arith.constant dense<0xFF800000> : vector<128xf32>
      %reduce_max3A_288 = vector.multi_reduction <maximumf>, %select_n3A_286, %reduce_max3A_287 [1] : vector<128x256xf32> to vector<128xf32>
      %broadcast_in_dim3A_289 = vector.shape_cast %reduce_max3A_288 : vector<128xf32> to vector<128x1xf32>
      %eq3A_290 = vector.broadcast %broadcast_in_dim3A_289 : vector<128x1xf32> to vector<128x256xf32>
      %eq3A_291 = arith.cmpf oeq, %select_n3A_286, %eq3A_290 : vector<128x256xf32>
      %jit3A_292 = arith.constant 1.07374182E+9 : f32
      %broadcast_in_dim3A_293 = vector.broadcast %jit3A_292 : f32 to vector<128x256xf32>
      %select_n3A_294 = arith.select %eq3A_291, %convert_element_type3A_64, %broadcast_in_dim3A_293 : vector<128x256xi1>, vector<128x256xf32>
      %reduce_min3A_295 = arith.constant dense<0x7F800000> : vector<128xf32>
      %reduce_min3A_296 = vector.multi_reduction <minimumf>, %select_n3A_294, %reduce_min3A_295 [1] : vector<128x256xf32> to vector<128xf32>
      %broadcast_in_dim3A_297 = vector.shape_cast %reduce_min3A_296 : vector<128xf32> to vector<128x1xf32>
      %eq3A_298 = vector.broadcast %broadcast_in_dim3A_297 : vector<128x1xf32> to vector<128x256xf32>
      %eq3A_299 = arith.cmpf oeq, %convert_element_type3A_64, %eq3A_298 : vector<128x256xf32>
      %jit3A_300 = arith.constant 0xFF800000 : f32
      %broadcast_in_dim3A_301 = vector.broadcast %jit3A_300 : f32 to vector<128x256xf32>
      %select_n3A_302 = arith.select %eq3A_299, %broadcast_in_dim3A_301, %select_n3A_286 : vector<128x256xi1>, vector<128x256xf32>
      %reduce_max3A_303 = arith.constant dense<0xFF800000> : vector<128xf32>
      %reduce_max3A_304 = vector.multi_reduction <maximumf>, %select_n3A_302, %reduce_max3A_303 [1] : vector<128x256xf32> to vector<128xf32>
      %broadcast_in_dim3A_305 = vector.shape_cast %reduce_max3A_304 : vector<128xf32> to vector<128x1xf32>
      %eq3A_306 = vector.broadcast %broadcast_in_dim3A_305 : vector<128x1xf32> to vector<128x256xf32>
      %eq3A_307 = arith.cmpf oeq, %select_n3A_302, %eq3A_306 : vector<128x256xf32>
      %jit3A_308 = arith.constant 1.07374182E+9 : f32
      %broadcast_in_dim3A_309 = vector.broadcast %jit3A_308 : f32 to vector<128x256xf32>
      %select_n3A_310 = arith.select %eq3A_307, %convert_element_type3A_64, %broadcast_in_dim3A_309 : vector<128x256xi1>, vector<128x256xf32>
      %reduce_min3A_311 = arith.constant dense<0x7F800000> : vector<128xf32>
      %reduce_min3A_312 = vector.multi_reduction <minimumf>, %select_n3A_310, %reduce_min3A_311 [1] : vector<128x256xf32> to vector<128xf32>
      %broadcast_in_dim3A_313 = vector.shape_cast %reduce_min3A_312 : vector<128xf32> to vector<128x1xf32>
      %eq3A_314 = vector.broadcast %broadcast_in_dim3A_313 : vector<128x1xf32> to vector<128x256xf32>
      %eq3A_315 = arith.cmpf oeq, %convert_element_type3A_64, %eq3A_314 : vector<128x256xf32>
      %jit3A_316 = arith.constant 0xFF800000 : f32
      %broadcast_in_dim3A_317 = vector.broadcast %jit3A_316 : f32 to vector<128x256xf32>
      %select_n3A_318 = arith.select %eq3A_315, %broadcast_in_dim3A_317, %select_n3A_302 : vector<128x256xi1>, vector<128x256xf32>
      %reduce_max3A_319 = arith.constant dense<0xFF800000> : vector<128xf32>
      %reduce_max3A_320 = vector.multi_reduction <maximumf>, %select_n3A_318, %reduce_max3A_319 [1] : vector<128x256xf32> to vector<128xf32>
      %broadcast_in_dim3A_321 = vector.shape_cast %reduce_max3A_320 : vector<128xf32> to vector<128x1xf32>
      %eq3A_322 = vector.broadcast %broadcast_in_dim3A_321 : vector<128x1xf32> to vector<128x256xf32>
      %eq3A_323 = arith.cmpf oeq, %select_n3A_318, %eq3A_322 : vector<128x256xf32>
      %jit3A_324 = arith.constant 1.07374182E+9 : f32
      %broadcast_in_dim3A_325 = vector.broadcast %jit3A_324 : f32 to vector<128x256xf32>
      %select_n3A_326 = arith.select %eq3A_323, %convert_element_type3A_64, %broadcast_in_dim3A_325 : vector<128x256xi1>, vector<128x256xf32>
      %reduce_min3A_327 = arith.constant dense<0x7F800000> : vector<128xf32>
      %reduce_min3A_328 = vector.multi_reduction <minimumf>, %select_n3A_326, %reduce_min3A_327 [1] : vector<128x256xf32> to vector<128xf32>
      %broadcast_in_dim3A_329 = vector.shape_cast %reduce_min3A_328 : vector<128xf32> to vector<128x1xf32>
      %eq3A_330 = vector.broadcast %broadcast_in_dim3A_329 : vector<128x1xf32> to vector<128x256xf32>
      %eq3A_331 = arith.cmpf oeq, %convert_element_type3A_64, %eq3A_330 : vector<128x256xf32>
      %jit3A_332 = arith.constant 0xFF800000 : f32
      %broadcast_in_dim3A_333 = vector.broadcast %jit3A_332 : f32 to vector<128x256xf32>
      %select_n3A_334 = arith.select %eq3A_331, %broadcast_in_dim3A_333, %select_n3A_318 : vector<128x256xi1>, vector<128x256xf32>
      %reduce_max3A_335 = arith.constant dense<0xFF800000> : vector<128xf32>
      %reduce_max3A_336 = vector.multi_reduction <maximumf>, %select_n3A_334, %reduce_max3A_335 [1] : vector<128x256xf32> to vector<128xf32>
      %broadcast_in_dim3A_337 = vector.shape_cast %reduce_max3A_336 : vector<128xf32> to vector<128x1xf32>
      %eq3A_338 = vector.broadcast %broadcast_in_dim3A_337 : vector<128x1xf32> to vector<128x256xf32>
      %eq3A_339 = arith.cmpf oeq, %select_n3A_334, %eq3A_338 : vector<128x256xf32>
      %jit3A_340 = arith.constant 1.07374182E+9 : f32
      %broadcast_in_dim3A_341 = vector.broadcast %jit3A_340 : f32 to vector<128x256xf32>
      %select_n3A_342 = arith.select %eq3A_339, %convert_element_type3A_64, %broadcast_in_dim3A_341 : vector<128x256xi1>, vector<128x256xf32>
      %reduce_min3A_343 = arith.constant dense<0x7F800000> : vector<128xf32>
      %reduce_min3A_344 = vector.multi_reduction <minimumf>, %select_n3A_342, %reduce_min3A_343 [1] : vector<128x256xf32> to vector<128xf32>
      %broadcast_in_dim3A_345 = vector.shape_cast %reduce_min3A_344 : vector<128xf32> to vector<128x1xf32>
      %eq3A_346 = vector.broadcast %broadcast_in_dim3A_345 : vector<128x1xf32> to vector<128x256xf32>
      %eq3A_347 = arith.cmpf oeq, %convert_element_type3A_64, %eq3A_346 : vector<128x256xf32>
      %jit3A_348 = arith.constant 0xFF800000 : f32
      %broadcast_in_dim3A_349 = vector.broadcast %jit3A_348 : f32 to vector<128x256xf32>
      %select_n3A_350 = arith.select %eq3A_347, %broadcast_in_dim3A_349, %select_n3A_334 : vector<128x256xi1>, vector<128x256xf32>
      %reduce_max3A_351 = arith.constant dense<0xFF800000> : vector<128xf32>
      %reduce_max3A_352 = vector.multi_reduction <maximumf>, %select_n3A_350, %reduce_max3A_351 [1] : vector<128x256xf32> to vector<128xf32>
      %broadcast_in_dim3A_353 = vector.shape_cast %reduce_max3A_352 : vector<128xf32> to vector<128x1xf32>
      %eq3A_354 = vector.broadcast %broadcast_in_dim3A_353 : vector<128x1xf32> to vector<128x256xf32>
      %eq3A_355 = arith.cmpf oeq, %select_n3A_350, %eq3A_354 : vector<128x256xf32>
      %jit3A_356 = arith.constant 1.07374182E+9 : f32
      %broadcast_in_dim3A_357 = vector.broadcast %jit3A_356 : f32 to vector<128x256xf32>
      %select_n3A_358 = arith.select %eq3A_355, %convert_element_type3A_64, %broadcast_in_dim3A_357 : vector<128x256xi1>, vector<128x256xf32>
      %reduce_min3A_359 = arith.constant dense<0x7F800000> : vector<128xf32>
      %reduce_min3A_360 = vector.multi_reduction <minimumf>, %select_n3A_358, %reduce_min3A_359 [1] : vector<128x256xf32> to vector<128xf32>
      %broadcast_in_dim3A_361 = vector.shape_cast %reduce_min3A_360 : vector<128xf32> to vector<128x1xf32>
      %eq3A_362 = vector.broadcast %broadcast_in_dim3A_361 : vector<128x1xf32> to vector<128x256xf32>
      %eq3A_363 = arith.cmpf oeq, %convert_element_type3A_64, %eq3A_362 : vector<128x256xf32>
      %jit3A_364 = arith.constant 0xFF800000 : f32
      %broadcast_in_dim3A_365 = vector.broadcast %jit3A_364 : f32 to vector<128x256xf32>
      %select_n3A_366 = arith.select %eq3A_363, %broadcast_in_dim3A_365, %select_n3A_350 : vector<128x256xi1>, vector<128x256xf32>
      %reduce_max3A_367 = arith.constant dense<0xFF800000> : vector<128xf32>
      %reduce_max3A_368 = vector.multi_reduction <maximumf>, %select_n3A_366, %reduce_max3A_367 [1] : vector<128x256xf32> to vector<128xf32>
      %broadcast_in_dim3A_369 = vector.shape_cast %reduce_max3A_368 : vector<128xf32> to vector<128x1xf32>
      %eq3A_370 = vector.broadcast %broadcast_in_dim3A_369 : vector<128x1xf32> to vector<128x256xf32>
      %eq3A_371 = arith.cmpf oeq, %select_n3A_366, %eq3A_370 : vector<128x256xf32>
      %jit3A_372 = arith.constant 1.07374182E+9 : f32
      %broadcast_in_dim3A_373 = vector.broadcast %jit3A_372 : f32 to vector<128x256xf32>
      %select_n3A_374 = arith.select %eq3A_371, %convert_element_type3A_64, %broadcast_in_dim3A_373 : vector<128x256xi1>, vector<128x256xf32>
      %reduce_min3A_375 = arith.constant dense<0x7F800000> : vector<128xf32>
      %reduce_min3A_376 = vector.multi_reduction <minimumf>, %select_n3A_374, %reduce_min3A_375 [1] : vector<128x256xf32> to vector<128xf32>
      %broadcast_in_dim3A_377 = vector.shape_cast %reduce_min3A_376 : vector<128xf32> to vector<128x1xf32>
      %eq3A_378 = vector.broadcast %broadcast_in_dim3A_377 : vector<128x1xf32> to vector<128x256xf32>
      %eq3A_379 = arith.cmpf oeq, %convert_element_type3A_64, %eq3A_378 : vector<128x256xf32>
      %jit3A_380 = arith.constant 0xFF800000 : f32
      %broadcast_in_dim3A_381 = vector.broadcast %jit3A_380 : f32 to vector<128x256xf32>
      %select_n3A_382 = arith.select %eq3A_379, %broadcast_in_dim3A_381, %select_n3A_366 : vector<128x256xi1>, vector<128x256xf32>
      %reduce_max3A_383 = arith.constant dense<0xFF800000> : vector<128xf32>
      %reduce_max3A_384 = vector.multi_reduction <maximumf>, %select_n3A_382, %reduce_max3A_383 [1] : vector<128x256xf32> to vector<128xf32>
      %broadcast_in_dim3A_385 = vector.shape_cast %reduce_max3A_384 : vector<128xf32> to vector<128x1xf32>
      %eq3A_386 = vector.broadcast %broadcast_in_dim3A_385 : vector<128x1xf32> to vector<128x256xf32>
      %eq3A_387 = arith.cmpf oeq, %select_n3A_382, %eq3A_386 : vector<128x256xf32>
      %jit3A_388 = arith.constant 1.07374182E+9 : f32
      %broadcast_in_dim3A_389 = vector.broadcast %jit3A_388 : f32 to vector<128x256xf32>
      %select_n3A_390 = arith.select %eq3A_387, %convert_element_type3A_64, %broadcast_in_dim3A_389 : vector<128x256xi1>, vector<128x256xf32>
      %reduce_min3A_391 = arith.constant dense<0x7F800000> : vector<128xf32>
      %reduce_min3A_392 = vector.multi_reduction <minimumf>, %select_n3A_390, %reduce_min3A_391 [1] : vector<128x256xf32> to vector<128xf32>
      %broadcast_in_dim3A_393 = vector.shape_cast %reduce_min3A_392 : vector<128xf32> to vector<128x1xf32>
      %eq3A_394 = vector.broadcast %broadcast_in_dim3A_393 : vector<128x1xf32> to vector<128x256xf32>
      %eq3A_395 = arith.cmpf oeq, %convert_element_type3A_64, %eq3A_394 : vector<128x256xf32>
      %jit3A_396 = arith.constant 0xFF800000 : f32
      %broadcast_in_dim3A_397 = vector.broadcast %jit3A_396 : f32 to vector<128x256xf32>
      %select_n3A_398 = arith.select %eq3A_395, %broadcast_in_dim3A_397, %select_n3A_382 : vector<128x256xi1>, vector<128x256xf32>
      %reduce_max3A_399 = arith.constant dense<0xFF800000> : vector<128xf32>
      %reduce_max3A_400 = vector.multi_reduction <maximumf>, %select_n3A_398, %reduce_max3A_399 [1] : vector<128x256xf32> to vector<128xf32>
      %broadcast_in_dim3A_401 = vector.shape_cast %reduce_max3A_400 : vector<128xf32> to vector<128x1xf32>
      %eq3A_402 = vector.broadcast %broadcast_in_dim3A_401 : vector<128x1xf32> to vector<128x256xf32>
      %eq3A_403 = arith.cmpf oeq, %select_n3A_398, %eq3A_402 : vector<128x256xf32>
      %jit3A_404 = arith.constant 1.07374182E+9 : f32
      %broadcast_in_dim3A_405 = vector.broadcast %jit3A_404 : f32 to vector<128x256xf32>
      %select_n3A_406 = arith.select %eq3A_403, %convert_element_type3A_64, %broadcast_in_dim3A_405 : vector<128x256xi1>, vector<128x256xf32>
      %reduce_min3A_407 = arith.constant dense<0x7F800000> : vector<128xf32>
      %reduce_min3A_408 = vector.multi_reduction <minimumf>, %select_n3A_406, %reduce_min3A_407 [1] : vector<128x256xf32> to vector<128xf32>
      %broadcast_in_dim3A_409 = vector.shape_cast %reduce_min3A_408 : vector<128xf32> to vector<128x1xf32>
      %eq3A_410 = vector.broadcast %broadcast_in_dim3A_409 : vector<128x1xf32> to vector<128x256xf32>
      %eq3A_411 = arith.cmpf oeq, %convert_element_type3A_64, %eq3A_410 : vector<128x256xf32>
      %jit3A_412 = arith.constant 0xFF800000 : f32
      %broadcast_in_dim3A_413 = vector.broadcast %jit3A_412 : f32 to vector<128x256xf32>
      %select_n3A_414 = arith.select %eq3A_411, %broadcast_in_dim3A_413, %select_n3A_398 : vector<128x256xi1>, vector<128x256xf32>
      %reduce_max3A_415 = arith.constant dense<0xFF800000> : vector<128xf32>
      %reduce_max3A_416 = vector.multi_reduction <maximumf>, %select_n3A_414, %reduce_max3A_415 [1] : vector<128x256xf32> to vector<128xf32>
      %broadcast_in_dim3A_417 = vector.shape_cast %reduce_max3A_416 : vector<128xf32> to vector<128x1xf32>
      %eq3A_418 = vector.broadcast %broadcast_in_dim3A_417 : vector<128x1xf32> to vector<128x256xf32>
      %eq3A_419 = arith.cmpf oeq, %select_n3A_414, %eq3A_418 : vector<128x256xf32>
      %jit3A_420 = arith.constant 1.07374182E+9 : f32
      %broadcast_in_dim3A_421 = vector.broadcast %jit3A_420 : f32 to vector<128x256xf32>
      %select_n3A_422 = arith.select %eq3A_419, %convert_element_type3A_64, %broadcast_in_dim3A_421 : vector<128x256xi1>, vector<128x256xf32>
      %reduce_min3A_423 = arith.constant dense<0x7F800000> : vector<128xf32>
      %reduce_min3A_424 = vector.multi_reduction <minimumf>, %select_n3A_422, %reduce_min3A_423 [1] : vector<128x256xf32> to vector<128xf32>
      %broadcast_in_dim3A_425 = vector.shape_cast %reduce_min3A_424 : vector<128xf32> to vector<128x1xf32>
      %eq3A_426 = vector.broadcast %broadcast_in_dim3A_425 : vector<128x1xf32> to vector<128x256xf32>
      %eq3A_427 = arith.cmpf oeq, %convert_element_type3A_64, %eq3A_426 : vector<128x256xf32>
      %jit3A_428 = arith.constant 0xFF800000 : f32
      %broadcast_in_dim3A_429 = vector.broadcast %jit3A_428 : f32 to vector<128x256xf32>
      %select_n3A_430 = arith.select %eq3A_427, %broadcast_in_dim3A_429, %select_n3A_414 : vector<128x256xi1>, vector<128x256xf32>
      %reduce_max3A_431 = arith.constant dense<0xFF800000> : vector<128xf32>
      %reduce_max3A_432 = vector.multi_reduction <maximumf>, %select_n3A_430, %reduce_max3A_431 [1] : vector<128x256xf32> to vector<128xf32>
      %broadcast_in_dim3A_433 = vector.shape_cast %reduce_max3A_432 : vector<128xf32> to vector<128x1xf32>
      %eq3A_434 = vector.broadcast %broadcast_in_dim3A_433 : vector<128x1xf32> to vector<128x256xf32>
      %eq3A_435 = arith.cmpf oeq, %select_n3A_430, %eq3A_434 : vector<128x256xf32>
      %jit3A_436 = arith.constant 1.07374182E+9 : f32
      %broadcast_in_dim3A_437 = vector.broadcast %jit3A_436 : f32 to vector<128x256xf32>
      %select_n3A_438 = arith.select %eq3A_435, %convert_element_type3A_64, %broadcast_in_dim3A_437 : vector<128x256xi1>, vector<128x256xf32>
      %reduce_min3A_439 = arith.constant dense<0x7F800000> : vector<128xf32>
      %reduce_min3A_440 = vector.multi_reduction <minimumf>, %select_n3A_438, %reduce_min3A_439 [1] : vector<128x256xf32> to vector<128xf32>
      %broadcast_in_dim3A_441 = vector.shape_cast %reduce_min3A_440 : vector<128xf32> to vector<128x1xf32>
      %eq3A_442 = vector.broadcast %broadcast_in_dim3A_441 : vector<128x1xf32> to vector<128x256xf32>
      %eq3A_443 = arith.cmpf oeq, %convert_element_type3A_64, %eq3A_442 : vector<128x256xf32>
      %jit3A_444 = arith.constant 0xFF800000 : f32
      %broadcast_in_dim3A_445 = vector.broadcast %jit3A_444 : f32 to vector<128x256xf32>
      %select_n3A_446 = arith.select %eq3A_443, %broadcast_in_dim3A_445, %select_n3A_430 : vector<128x256xi1>, vector<128x256xf32>
      %reduce_max3A_447 = arith.constant dense<0xFF800000> : vector<128xf32>
      %reduce_max3A_448 = vector.multi_reduction <maximumf>, %select_n3A_446, %reduce_max3A_447 [1] : vector<128x256xf32> to vector<128xf32>
      %broadcast_in_dim3A_449 = vector.shape_cast %reduce_max3A_448 : vector<128xf32> to vector<128x1xf32>
      %eq3A_450 = vector.broadcast %broadcast_in_dim3A_449 : vector<128x1xf32> to vector<128x256xf32>
      %eq3A_451 = arith.cmpf oeq, %select_n3A_446, %eq3A_450 : vector<128x256xf32>
      %jit3A_452 = arith.constant 1.07374182E+9 : f32
      %broadcast_in_dim3A_453 = vector.broadcast %jit3A_452 : f32 to vector<128x256xf32>
      %select_n3A_454 = arith.select %eq3A_451, %convert_element_type3A_64, %broadcast_in_dim3A_453 : vector<128x256xi1>, vector<128x256xf32>
      %reduce_min3A_455 = arith.constant dense<0x7F800000> : vector<128xf32>
      %reduce_min3A_456 = vector.multi_reduction <minimumf>, %select_n3A_454, %reduce_min3A_455 [1] : vector<128x256xf32> to vector<128xf32>
      %broadcast_in_dim3A_457 = vector.shape_cast %reduce_min3A_456 : vector<128xf32> to vector<128x1xf32>
      %eq3A_458 = vector.broadcast %broadcast_in_dim3A_457 : vector<128x1xf32> to vector<128x256xf32>
      %eq3A_459 = arith.cmpf oeq, %convert_element_type3A_64, %eq3A_458 : vector<128x256xf32>
      %jit3A_460 = arith.constant 0xFF800000 : f32
      %broadcast_in_dim3A_461 = vector.broadcast %jit3A_460 : f32 to vector<128x256xf32>
      %select_n3A_462 = arith.select %eq3A_459, %broadcast_in_dim3A_461, %select_n3A_446 : vector<128x256xi1>, vector<128x256xf32>
      %reduce_max3A_463 = arith.constant dense<0xFF800000> : vector<128xf32>
      %reduce_max3A_464 = vector.multi_reduction <maximumf>, %select_n3A_462, %reduce_max3A_463 [1] : vector<128x256xf32> to vector<128xf32>
      %broadcast_in_dim3A_465 = vector.shape_cast %reduce_max3A_464 : vector<128xf32> to vector<128x1xf32>
      %eq3A_466 = vector.broadcast %broadcast_in_dim3A_465 : vector<128x1xf32> to vector<128x256xf32>
      %eq3A_467 = arith.cmpf oeq, %select_n3A_462, %eq3A_466 : vector<128x256xf32>
      %jit3A_468 = arith.constant 1.07374182E+9 : f32
      %broadcast_in_dim3A_469 = vector.broadcast %jit3A_468 : f32 to vector<128x256xf32>
      %select_n3A_470 = arith.select %eq3A_467, %convert_element_type3A_64, %broadcast_in_dim3A_469 : vector<128x256xi1>, vector<128x256xf32>
      %reduce_min3A_471 = arith.constant dense<0x7F800000> : vector<128xf32>
      %reduce_min3A_472 = vector.multi_reduction <minimumf>, %select_n3A_470, %reduce_min3A_471 [1] : vector<128x256xf32> to vector<128xf32>
      %broadcast_in_dim3A_473 = vector.shape_cast %reduce_min3A_472 : vector<128xf32> to vector<128x1xf32>
      %eq3A_474 = vector.broadcast %broadcast_in_dim3A_473 : vector<128x1xf32> to vector<128x256xf32>
      %eq3A_475 = arith.cmpf oeq, %convert_element_type3A_64, %eq3A_474 : vector<128x256xf32>
      %jit3A_476 = arith.constant 0xFF800000 : f32
      %broadcast_in_dim3A_477 = vector.broadcast %jit3A_476 : f32 to vector<128x256xf32>
      %select_n3A_478 = arith.select %eq3A_475, %broadcast_in_dim3A_477, %select_n3A_462 : vector<128x256xi1>, vector<128x256xf32>
      %reduce_max3A_479 = arith.constant dense<0xFF800000> : vector<128xf32>
      %reduce_max3A_480 = vector.multi_reduction <maximumf>, %select_n3A_478, %reduce_max3A_479 [1] : vector<128x256xf32> to vector<128xf32>
      %broadcast_in_dim3A_481 = vector.shape_cast %reduce_max3A_480 : vector<128xf32> to vector<128x1xf32>
      %eq3A_482 = vector.broadcast %broadcast_in_dim3A_481 : vector<128x1xf32> to vector<128x256xf32>
      %eq3A_483 = arith.cmpf oeq, %select_n3A_478, %eq3A_482 : vector<128x256xf32>
      %jit3A_484 = arith.constant 1.07374182E+9 : f32
      %broadcast_in_dim3A_485 = vector.broadcast %jit3A_484 : f32 to vector<128x256xf32>
      %select_n3A_486 = arith.select %eq3A_483, %convert_element_type3A_64, %broadcast_in_dim3A_485 : vector<128x256xi1>, vector<128x256xf32>
      %reduce_min3A_487 = arith.constant dense<0x7F800000> : vector<128xf32>
      %reduce_min3A_488 = vector.multi_reduction <minimumf>, %select_n3A_486, %reduce_min3A_487 [1] : vector<128x256xf32> to vector<128xf32>
      %broadcast_in_dim3A_489 = vector.shape_cast %reduce_min3A_488 : vector<128xf32> to vector<128x1xf32>
      %eq3A_490 = vector.broadcast %broadcast_in_dim3A_489 : vector<128x1xf32> to vector<128x256xf32>
      %eq3A_491 = arith.cmpf oeq, %convert_element_type3A_64, %eq3A_490 : vector<128x256xf32>
      %jit3A_492 = arith.constant 0xFF800000 : f32
      %broadcast_in_dim3A_493 = vector.broadcast %jit3A_492 : f32 to vector<128x256xf32>
      %select_n3A_494 = arith.select %eq3A_491, %broadcast_in_dim3A_493, %select_n3A_478 : vector<128x256xi1>, vector<128x256xf32>
      %reduce_max3A_495 = arith.constant dense<0xFF800000> : vector<128xf32>
      %reduce_max3A_496 = vector.multi_reduction <maximumf>, %select_n3A_494, %reduce_max3A_495 [1] : vector<128x256xf32> to vector<128xf32>
      %broadcast_in_dim3A_497 = vector.shape_cast %reduce_max3A_496 : vector<128xf32> to vector<128x1xf32>
      %eq3A_498 = vector.broadcast %broadcast_in_dim3A_497 : vector<128x1xf32> to vector<128x256xf32>
      %eq3A_499 = arith.cmpf oeq, %select_n3A_494, %eq3A_498 : vector<128x256xf32>
      %jit3A_500 = arith.constant 1.07374182E+9 : f32
      %broadcast_in_dim3A_501 = vector.broadcast %jit3A_500 : f32 to vector<128x256xf32>
      %select_n3A_502 = arith.select %eq3A_499, %convert_element_type3A_64, %broadcast_in_dim3A_501 : vector<128x256xi1>, vector<128x256xf32>
      %reduce_min3A_503 = arith.constant dense<0x7F800000> : vector<128xf32>
      %reduce_min3A_504 = vector.multi_reduction <minimumf>, %select_n3A_502, %reduce_min3A_503 [1] : vector<128x256xf32> to vector<128xf32>
      %broadcast_in_dim3A_505 = vector.shape_cast %reduce_min3A_504 : vector<128xf32> to vector<128x1xf32>
      %eq3A_506 = vector.broadcast %broadcast_in_dim3A_505 : vector<128x1xf32> to vector<128x256xf32>
      %eq3A_507 = arith.cmpf oeq, %convert_element_type3A_64, %eq3A_506 : vector<128x256xf32>
      %jit3A_508 = arith.constant 0xFF800000 : f32
      %broadcast_in_dim3A_509 = vector.broadcast %jit3A_508 : f32 to vector<128x256xf32>
      %select_n3A_510 = arith.select %eq3A_507, %broadcast_in_dim3A_509, %select_n3A_494 : vector<128x256xi1>, vector<128x256xf32>
      %reduce_max3A_511 = arith.constant dense<0xFF800000> : vector<128xf32>
      %reduce_max3A_512 = vector.multi_reduction <maximumf>, %select_n3A_510, %reduce_max3A_511 [1] : vector<128x256xf32> to vector<128xf32>
      %broadcast_in_dim3A_513 = vector.shape_cast %reduce_max3A_512 : vector<128xf32> to vector<128x1xf32>
      %eq3A_514 = vector.broadcast %broadcast_in_dim3A_513 : vector<128x1xf32> to vector<128x256xf32>
      %eq3A_515 = arith.cmpf oeq, %select_n3A_510, %eq3A_514 : vector<128x256xf32>
      %jit3A_516 = arith.constant 1.07374182E+9 : f32
      %broadcast_in_dim3A_517 = vector.broadcast %jit3A_516 : f32 to vector<128x256xf32>
      %select_n3A_518 = arith.select %eq3A_515, %convert_element_type3A_64, %broadcast_in_dim3A_517 : vector<128x256xi1>, vector<128x256xf32>
      %reduce_min3A_519 = arith.constant dense<0x7F800000> : vector<128xf32>
      %reduce_min3A_520 = vector.multi_reduction <minimumf>, %select_n3A_518, %reduce_min3A_519 [1] : vector<128x256xf32> to vector<128xf32>
      %broadcast_in_dim3A_521 = vector.shape_cast %reduce_min3A_520 : vector<128xf32> to vector<128x1xf32>
      %eq3A_522 = vector.broadcast %broadcast_in_dim3A_521 : vector<128x1xf32> to vector<128x256xf32>
      %eq3A_523 = arith.cmpf oeq, %convert_element_type3A_64, %eq3A_522 : vector<128x256xf32>
      %jit3A_524 = arith.constant 0xFF800000 : f32
      %broadcast_in_dim3A_525 = vector.broadcast %jit3A_524 : f32 to vector<128x256xf32>
      %select_n3A_526 = arith.select %eq3A_523, %broadcast_in_dim3A_525, %select_n3A_510 : vector<128x256xi1>, vector<128x256xf32>
      %reduce_max3A_527 = arith.constant dense<0xFF800000> : vector<128xf32>
      %reduce_max3A_528 = vector.multi_reduction <maximumf>, %select_n3A_526, %reduce_max3A_527 [1] : vector<128x256xf32> to vector<128xf32>
      %broadcast_in_dim3A_529 = vector.shape_cast %reduce_max3A_528 : vector<128xf32> to vector<128x1xf32>
      %eq3A_530 = vector.broadcast %broadcast_in_dim3A_529 : vector<128x1xf32> to vector<128x256xf32>
      %eq3A_531 = arith.cmpf oeq, %select_n3A_526, %eq3A_530 : vector<128x256xf32>
      %jit3A_532 = arith.constant 1.07374182E+9 : f32
      %broadcast_in_dim3A_533 = vector.broadcast %jit3A_532 : f32 to vector<128x256xf32>
      %select_n3A_534 = arith.select %eq3A_531, %convert_element_type3A_64, %broadcast_in_dim3A_533 : vector<128x256xi1>, vector<128x256xf32>
      %reduce_min3A_535 = arith.constant dense<0x7F800000> : vector<128xf32>
      %reduce_min3A_536 = vector.multi_reduction <minimumf>, %select_n3A_534, %reduce_min3A_535 [1] : vector<128x256xf32> to vector<128xf32>
      %broadcast_in_dim3A_537 = vector.shape_cast %reduce_min3A_536 : vector<128xf32> to vector<128x1xf32>
      %eq3A_538 = vector.broadcast %broadcast_in_dim3A_537 : vector<128x1xf32> to vector<128x256xf32>
      %eq3A_539 = arith.cmpf oeq, %convert_element_type3A_64, %eq3A_538 : vector<128x256xf32>
      %jit3A_540 = arith.constant 0xFF800000 : f32
      %broadcast_in_dim3A_541 = vector.broadcast %jit3A_540 : f32 to vector<128x256xf32>
      %select_n3A_542 = arith.select %eq3A_539, %broadcast_in_dim3A_541, %select_n3A_526 : vector<128x256xi1>, vector<128x256xf32>
      %reduce_max3A_543 = arith.constant dense<0xFF800000> : vector<128xf32>
      %reduce_max3A_544 = vector.multi_reduction <maximumf>, %select_n3A_542, %reduce_max3A_543 [1] : vector<128x256xf32> to vector<128xf32>
      %broadcast_in_dim3A_545 = vector.shape_cast %reduce_max3A_544 : vector<128xf32> to vector<128x1xf32>
      %eq3A_546 = vector.broadcast %broadcast_in_dim3A_545 : vector<128x1xf32> to vector<128x256xf32>
      %eq3A_547 = arith.cmpf oeq, %select_n3A_542, %eq3A_546 : vector<128x256xf32>
      %jit3A_548 = arith.constant 1.07374182E+9 : f32
      %broadcast_in_dim3A_549 = vector.broadcast %jit3A_548 : f32 to vector<128x256xf32>
      %select_n3A_550 = arith.select %eq3A_547, %convert_element_type3A_64, %broadcast_in_dim3A_549 : vector<128x256xi1>, vector<128x256xf32>
      %reduce_min3A_551 = arith.constant dense<0x7F800000> : vector<128xf32>
      %reduce_min3A_552 = vector.multi_reduction <minimumf>, %select_n3A_550, %reduce_min3A_551 [1] : vector<128x256xf32> to vector<128xf32>
      %broadcast_in_dim3A_553 = vector.shape_cast %reduce_min3A_552 : vector<128xf32> to vector<128x1xf32>
      %eq3A_554 = vector.broadcast %broadcast_in_dim3A_553 : vector<128x1xf32> to vector<128x256xf32>
      %eq3A_555 = arith.cmpf oeq, %convert_element_type3A_64, %eq3A_554 : vector<128x256xf32>
      %jit3A_556 = arith.constant 0xFF800000 : f32
      %broadcast_in_dim3A_557 = vector.broadcast %jit3A_556 : f32 to vector<128x256xf32>
      %select_n3A_558 = arith.select %eq3A_555, %broadcast_in_dim3A_557, %select_n3A_542 : vector<128x256xi1>, vector<128x256xf32>
      %reduce_max3A_559 = arith.constant dense<0xFF800000> : vector<128xf32>
      %reduce_max3A_560 = vector.multi_reduction <maximumf>, %select_n3A_558, %reduce_max3A_559 [1] : vector<128x256xf32> to vector<128xf32>
      %broadcast_in_dim3A_561 = vector.shape_cast %reduce_max3A_560 : vector<128xf32> to vector<128x1xf32>
      %eq3A_562 = vector.broadcast %broadcast_in_dim3A_561 : vector<128x1xf32> to vector<128x256xf32>
      %eq3A_563 = arith.cmpf oeq, %select_n3A_558, %eq3A_562 : vector<128x256xf32>
      %jit3A_564 = arith.constant 1.07374182E+9 : f32
      %broadcast_in_dim3A_565 = vector.broadcast %jit3A_564 : f32 to vector<128x256xf32>
      %select_n3A_566 = arith.select %eq3A_563, %convert_element_type3A_64, %broadcast_in_dim3A_565 : vector<128x256xi1>, vector<128x256xf32>
      %reduce_min3A_567 = arith.constant dense<0x7F800000> : vector<128xf32>
      %reduce_min3A_568 = vector.multi_reduction <minimumf>, %select_n3A_566, %reduce_min3A_567 [1] : vector<128x256xf32> to vector<128xf32>
      %broadcast_in_dim3A_569 = vector.shape_cast %reduce_min3A_568 : vector<128xf32> to vector<128x1xf32>
      %concatenate3A_570 = tpu.concatenate %broadcast_in_dim3A_73, %broadcast_in_dim3A_89, %broadcast_in_dim3A_105, %broadcast_in_dim3A_121, %broadcast_in_dim3A_137, %broadcast_in_dim3A_153, %broadcast_in_dim3A_169, %broadcast_in_dim3A_185, %broadcast_in_dim3A_201, %broadcast_in_dim3A_217, %broadcast_in_dim3A_233, %broadcast_in_dim3A_249, %broadcast_in_dim3A_265, %broadcast_in_dim3A_281, %broadcast_in_dim3A_297, %broadcast_in_dim3A_313, %broadcast_in_dim3A_329, %broadcast_in_dim3A_345, %broadcast_in_dim3A_361, %broadcast_in_dim3A_377, %broadcast_in_dim3A_393, %broadcast_in_dim3A_409, %broadcast_in_dim3A_425, %broadcast_in_dim3A_441, %broadcast_in_dim3A_457, %broadcast_in_dim3A_473, %broadcast_in_dim3A_489, %broadcast_in_dim3A_505, %broadcast_in_dim3A_521, %broadcast_in_dim3A_537, %broadcast_in_dim3A_553, %broadcast_in_dim3A_569 in 1 : vector<128x1xf32>, vector<128x1xf32>, vector<128x1xf32>, vector<128x1xf32>, vector<128x1xf32>, vector<128x1xf32>, vector<128x1xf32>, vector<128x1xf32>, vector<128x1xf32>, vector<128x1xf32>, vector<128x1xf32>, vector<128x1xf32>, vector<128x1xf32>, vector<128x1xf32>, vector<128x1xf32>, vector<128x1xf32>, vector<128x1xf32>, vector<128x1xf32>, vector<128x1xf32>, vector<128x1xf32>, vector<128x1xf32>, vector<128x1xf32>, vector<128x1xf32>, vector<128x1xf32>, vector<128x1xf32>, vector<128x1xf32>, vector<128x1xf32>, vector<128x1xf32>, vector<128x1xf32>, vector<128x1xf32>, vector<128x1xf32>, vector<128x1xf32> -> vector<128x32xf32>
      %convert_element_type3A_571 = arith.fptosi %concatenate3A_570 : vector<128x32xf32> to vector<128x32xi32>
      %swap3A_572 = arith.constant 0 : index
      %swap3A_573 = arith.constant 0 : index
      %swap3A_574 = vector.load %arg7[%swap3A_572, %swap3A_573] : memref<128x32xi32, #tpu.memory_space<vmem>>, vector<128x32xi32>
      tpu.vector_store %arg7[%swap3A_572, %swap3A_573], %convert_element_type3A_571 {strides = array<i32>} : memref<128x32xi32, #tpu.memory_space<vmem>>, vector<128x32xi32>,
      %mul3A = arith.constant 256 : i32
      %mul3A_575 = vector.broadcast %mul3A : i32 to vector<128x1xi32>
      %mul3A_576 = arith.muli %iota3A_65, %mul3A_575 : vector<128x1xi32>
      %add3A_577 = vector.broadcast %mul3A_576 : vector<128x1xi32> to vector<128x32xi32>
      %add3A_578 = arith.addi %convert_element_type3A_571, %add3A_577 : vector<128x32xi32>
      %swap3A_579 = arith.constant 0 : index
      %swap3A_580 = arith.constant 0 : index
      %swap3A_581 = vector.load %arg6[%swap3A_579, %swap3A_580] : memref<128x32xi32, #tpu.memory_space<vmem>>, vector<128x32xi32>
      tpu.vector_store %arg6[%swap3A_579, %swap3A_580], %add3A_578 {strides = array<i32>} : memref<128x32xi32, #tpu.memory_space<vmem>>, vector<128x32xi32>,
    } else {
    }
    return
  }
  func.func @transform_0(%arg0: i32) -> (i32, i32) {
    %c0_i32 = arith.constant 0 : i32
    %c0_i32_0 = arith.constant 0 : i32
    %c0_i32_1 = arith.constant 0 : i32
    return %c0_i32, %c0_i32_0 : i32, i32
  }
  func.func @transform_1(%arg0: i32) -> (i32, i32) {
    %c0_i32 = arith.constant 0 : i32
    %c0_i32_0 = arith.constant 0 : i32
    return %arg0, %c0_i32 : i32, i32
  }
  func.func @transform_2(%arg0: i32) -> i32 {
    %c0_i32 = arith.constant 0 : i32
    %c0_i32_0 = arith.constant 0 : i32
    return %c0_i32 : i32
  }
  func.func @transform_3(%arg0: i32) -> i32 {
    %c0_i32 = arith.constant 0 : i32
    return %arg0 : i32
  }
  func.func @transform_4(%arg0: i32) -> (i32, i32) {
    %c0_i32 = arith.constant 0 : i32
    %c0_i32_0 = arith.constant 0 : i32
    return %c0_i32, %arg0 : i32, i32
  }
  func.func @transform_5(%arg0: i32) -> (i32, i32) {
    %c0_i32 = arith.constant 0 : i32
    %c0_i32_0 = arith.constant 0 : i32
    %c0_i32_1 = arith.constant 0 : i32
    return %c0_i32, %c0_i32_0 : i32, i32
  }
  func.func @transform_6(%arg0: i32) -> (i32, i32) {
    %c0_i32 = arith.constant 0 : i32
    %c0_i32_0 = arith.constant 0 : i32
    %c0_i32_1 = arith.constant 0 : i32
    return %c0_i32, %c0_i32_0 : i32, i32
  }
}

module attributes {stable_mosaic.version = 14 : i64} {
  func.func @_ce_body(%arg0: i32, %arg1: memref<128x4096xf32, #tpu.memory_space<vmem>>, %arg2: memref<128x32xi32, #tpu.memory_space<vmem>>, %arg3: memref<128x4096xf32, #tpu.memory_space<vmem>>, %arg4: memref<128x32xf32, #tpu.memory_space<vmem>>, %arg5: memref<128x32xi32, #tpu.memory_space<vmem>>, %arg6: memref<128x4096xf32, #tpu.memory_space<vmem>>, %arg7: memref<128x1xf32, #tpu.memory_space<vmem>>) attributes {dimension_semantics = [#tpu.dimension_semantics<arbitrary>], iteration_bounds = array<i64: 8>, scalar_prefetch = 0 : i64, scratch_operands = 1 : i64, tpu.core_type = #tpu.core_type<tc>, window_params = [{pipeline_mode = #tpu.pipeline_mode<synchronous>, transform_indices = @transform_0, window_bounds = array<i64: 128, 4096>}, {pipeline_mode = #tpu.pipeline_mode<synchronous>, transform_indices = @transform_1, window_bounds = array<i64: 128, 32>}, {transform_indices = @transform_2, window_bounds = array<i64: 128, 4096>}, {pipeline_mode = #tpu.pipeline_mode<synchronous>, transform_indices = @transform_3, window_bounds = array<i64: 128, 32>}, {pipeline_mode = #tpu.pipeline_mode<synchronous>, transform_indices = @transform_4, window_bounds = array<i64: 128, 32>}, {transform_indices = @transform_5, window_bounds = array<i64: 128, 4096>}]} {
    %eq3A = arith.constant 0 : i32
    %eq3A_0 = arith.cmpi eq, %arg0, %eq3A : i32
    %convert_element_type3A = arith.extui %eq3A_0 : i1 to i32
    %cond3A = arith.constant 0 : i32
    %cond3A_1 = arith.cmpi ne, %convert_element_type3A, %cond3A : i32
    scf.if %cond3A_1 {
      %get3A_12 = arith.constant 0 : index
      %get3A_13 = arith.constant 0 : index
      %get3A_14 = vector.load %arg1[%get3A_12, %get3A_13] : memref<128x4096xf32, #tpu.memory_space<vmem>>, vector<128x4096xf32>
      %get3A_15 = arith.constant 0 : index
      %get3A_16 = arith.constant 0 : index
      %get3A_17 = vector.load %arg2[%get3A_15, %get3A_16] : memref<128x32xi32, #tpu.memory_space<vmem>>, vector<128x32xi32>
      %convert_element_type3A_18 = arith.sitofp %get3A_17 : vector<128x32xi32> to vector<128x32xf32>
      %iota3A = tpu.iota {dimensions = array<i32: 1>} : vector<128x128xi32>
      %convert_element_type3A_19 = arith.sitofp %iota3A : vector<128x128xi32> to vector<128x128xf32>
      %slice3A = vector.extract_strided_slice %convert_element_type3A_18 {offsets = [0, 0], sizes = [128, 1], strides = [1, 1]} : vector<128x32xf32> to vector<128x1xf32>
      %broadcast_in_dim3A_20 = vector.shape_cast %slice3A : vector<128x1xf32> to vector<128x1xf32>
      %broadcast_in_dim3A_21 = vector.broadcast %broadcast_in_dim3A_20 : vector<128x1xf32> to vector<128x128xf32>
      %mul3A = arith.constant 1.280000e+02 : f32
      %mul3A_22 = vector.broadcast %mul3A : f32 to vector<128x128xf32>
      %mul3A_23 = arith.mulf %broadcast_in_dim3A_21, %mul3A_22 : vector<128x128xf32>
      %add3A = arith.addf %mul3A_23, %convert_element_type3A_19 : vector<128x128xf32>
      %slice3A_24 = vector.extract_strided_slice %convert_element_type3A_18 {offsets = [0, 1], sizes = [128, 1], strides = [1, 1]} : vector<128x32xf32> to vector<128x1xf32>
      %broadcast_in_dim3A_25 = vector.shape_cast %slice3A_24 : vector<128x1xf32> to vector<128x1xf32>
      %broadcast_in_dim3A_26 = vector.broadcast %broadcast_in_dim3A_25 : vector<128x1xf32> to vector<128x128xf32>
      %mul3A_27 = arith.constant 1.280000e+02 : f32
      %mul3A_28 = vector.broadcast %mul3A_27 : f32 to vector<128x128xf32>
      %mul3A_29 = arith.mulf %broadcast_in_dim3A_26, %mul3A_28 : vector<128x128xf32>
      %add3A_30 = arith.addf %mul3A_29, %convert_element_type3A_19 : vector<128x128xf32>
      %slice3A_31 = vector.extract_strided_slice %convert_element_type3A_18 {offsets = [0, 2], sizes = [128, 1], strides = [1, 1]} : vector<128x32xf32> to vector<128x1xf32>
      %broadcast_in_dim3A_32 = vector.shape_cast %slice3A_31 : vector<128x1xf32> to vector<128x1xf32>
      %broadcast_in_dim3A_33 = vector.broadcast %broadcast_in_dim3A_32 : vector<128x1xf32> to vector<128x128xf32>
      %mul3A_34 = arith.constant 1.280000e+02 : f32
      %mul3A_35 = vector.broadcast %mul3A_34 : f32 to vector<128x128xf32>
      %mul3A_36 = arith.mulf %broadcast_in_dim3A_33, %mul3A_35 : vector<128x128xf32>
      %add3A_37 = arith.addf %mul3A_36, %convert_element_type3A_19 : vector<128x128xf32>
      %slice3A_38 = vector.extract_strided_slice %convert_element_type3A_18 {offsets = [0, 3], sizes = [128, 1], strides = [1, 1]} : vector<128x32xf32> to vector<128x1xf32>
      %broadcast_in_dim3A_39 = vector.shape_cast %slice3A_38 : vector<128x1xf32> to vector<128x1xf32>
      %broadcast_in_dim3A_40 = vector.broadcast %broadcast_in_dim3A_39 : vector<128x1xf32> to vector<128x128xf32>
      %mul3A_41 = arith.constant 1.280000e+02 : f32
      %mul3A_42 = vector.broadcast %mul3A_41 : f32 to vector<128x128xf32>
      %mul3A_43 = arith.mulf %broadcast_in_dim3A_40, %mul3A_42 : vector<128x128xf32>
      %add3A_44 = arith.addf %mul3A_43, %convert_element_type3A_19 : vector<128x128xf32>
      %slice3A_45 = vector.extract_strided_slice %convert_element_type3A_18 {offsets = [0, 4], sizes = [128, 1], strides = [1, 1]} : vector<128x32xf32> to vector<128x1xf32>
      %broadcast_in_dim3A_46 = vector.shape_cast %slice3A_45 : vector<128x1xf32> to vector<128x1xf32>
      %broadcast_in_dim3A_47 = vector.broadcast %broadcast_in_dim3A_46 : vector<128x1xf32> to vector<128x128xf32>
      %mul3A_48 = arith.constant 1.280000e+02 : f32
      %mul3A_49 = vector.broadcast %mul3A_48 : f32 to vector<128x128xf32>
      %mul3A_50 = arith.mulf %broadcast_in_dim3A_47, %mul3A_49 : vector<128x128xf32>
      %add3A_51 = arith.addf %mul3A_50, %convert_element_type3A_19 : vector<128x128xf32>
      %slice3A_52 = vector.extract_strided_slice %convert_element_type3A_18 {offsets = [0, 5], sizes = [128, 1], strides = [1, 1]} : vector<128x32xf32> to vector<128x1xf32>
      %broadcast_in_dim3A_53 = vector.shape_cast %slice3A_52 : vector<128x1xf32> to vector<128x1xf32>
      %broadcast_in_dim3A_54 = vector.broadcast %broadcast_in_dim3A_53 : vector<128x1xf32> to vector<128x128xf32>
      %mul3A_55 = arith.constant 1.280000e+02 : f32
      %mul3A_56 = vector.broadcast %mul3A_55 : f32 to vector<128x128xf32>
      %mul3A_57 = arith.mulf %broadcast_in_dim3A_54, %mul3A_56 : vector<128x128xf32>
      %add3A_58 = arith.addf %mul3A_57, %convert_element_type3A_19 : vector<128x128xf32>
      %slice3A_59 = vector.extract_strided_slice %convert_element_type3A_18 {offsets = [0, 6], sizes = [128, 1], strides = [1, 1]} : vector<128x32xf32> to vector<128x1xf32>
      %broadcast_in_dim3A_60 = vector.shape_cast %slice3A_59 : vector<128x1xf32> to vector<128x1xf32>
      %broadcast_in_dim3A_61 = vector.broadcast %broadcast_in_dim3A_60 : vector<128x1xf32> to vector<128x128xf32>
      %mul3A_62 = arith.constant 1.280000e+02 : f32
      %mul3A_63 = vector.broadcast %mul3A_62 : f32 to vector<128x128xf32>
      %mul3A_64 = arith.mulf %broadcast_in_dim3A_61, %mul3A_63 : vector<128x128xf32>
      %add3A_65 = arith.addf %mul3A_64, %convert_element_type3A_19 : vector<128x128xf32>
      %slice3A_66 = vector.extract_strided_slice %convert_element_type3A_18 {offsets = [0, 7], sizes = [128, 1], strides = [1, 1]} : vector<128x32xf32> to vector<128x1xf32>
      %broadcast_in_dim3A_67 = vector.shape_cast %slice3A_66 : vector<128x1xf32> to vector<128x1xf32>
      %broadcast_in_dim3A_68 = vector.broadcast %broadcast_in_dim3A_67 : vector<128x1xf32> to vector<128x128xf32>
      %mul3A_69 = arith.constant 1.280000e+02 : f32
      %mul3A_70 = vector.broadcast %mul3A_69 : f32 to vector<128x128xf32>
      %mul3A_71 = arith.mulf %broadcast_in_dim3A_68, %mul3A_70 : vector<128x128xf32>
      %add3A_72 = arith.addf %mul3A_71, %convert_element_type3A_19 : vector<128x128xf32>
      %slice3A_73 = vector.extract_strided_slice %convert_element_type3A_18 {offsets = [0, 8], sizes = [128, 1], strides = [1, 1]} : vector<128x32xf32> to vector<128x1xf32>
      %broadcast_in_dim3A_74 = vector.shape_cast %slice3A_73 : vector<128x1xf32> to vector<128x1xf32>
      %broadcast_in_dim3A_75 = vector.broadcast %broadcast_in_dim3A_74 : vector<128x1xf32> to vector<128x128xf32>
      %mul3A_76 = arith.constant 1.280000e+02 : f32
      %mul3A_77 = vector.broadcast %mul3A_76 : f32 to vector<128x128xf32>
      %mul3A_78 = arith.mulf %broadcast_in_dim3A_75, %mul3A_77 : vector<128x128xf32>
      %add3A_79 = arith.addf %mul3A_78, %convert_element_type3A_19 : vector<128x128xf32>
      %slice3A_80 = vector.extract_strided_slice %convert_element_type3A_18 {offsets = [0, 9], sizes = [128, 1], strides = [1, 1]} : vector<128x32xf32> to vector<128x1xf32>
      %broadcast_in_dim3A_81 = vector.shape_cast %slice3A_80 : vector<128x1xf32> to vector<128x1xf32>
      %broadcast_in_dim3A_82 = vector.broadcast %broadcast_in_dim3A_81 : vector<128x1xf32> to vector<128x128xf32>
      %mul3A_83 = arith.constant 1.280000e+02 : f32
      %mul3A_84 = vector.broadcast %mul3A_83 : f32 to vector<128x128xf32>
      %mul3A_85 = arith.mulf %broadcast_in_dim3A_82, %mul3A_84 : vector<128x128xf32>
      %add3A_86 = arith.addf %mul3A_85, %convert_element_type3A_19 : vector<128x128xf32>
      %slice3A_87 = vector.extract_strided_slice %convert_element_type3A_18 {offsets = [0, 10], sizes = [128, 1], strides = [1, 1]} : vector<128x32xf32> to vector<128x1xf32>
      %broadcast_in_dim3A_88 = vector.shape_cast %slice3A_87 : vector<128x1xf32> to vector<128x1xf32>
      %broadcast_in_dim3A_89 = vector.broadcast %broadcast_in_dim3A_88 : vector<128x1xf32> to vector<128x128xf32>
      %mul3A_90 = arith.constant 1.280000e+02 : f32
      %mul3A_91 = vector.broadcast %mul3A_90 : f32 to vector<128x128xf32>
      %mul3A_92 = arith.mulf %broadcast_in_dim3A_89, %mul3A_91 : vector<128x128xf32>
      %add3A_93 = arith.addf %mul3A_92, %convert_element_type3A_19 : vector<128x128xf32>
      %slice3A_94 = vector.extract_strided_slice %convert_element_type3A_18 {offsets = [0, 11], sizes = [128, 1], strides = [1, 1]} : vector<128x32xf32> to vector<128x1xf32>
      %broadcast_in_dim3A_95 = vector.shape_cast %slice3A_94 : vector<128x1xf32> to vector<128x1xf32>
      %broadcast_in_dim3A_96 = vector.broadcast %broadcast_in_dim3A_95 : vector<128x1xf32> to vector<128x128xf32>
      %mul3A_97 = arith.constant 1.280000e+02 : f32
      %mul3A_98 = vector.broadcast %mul3A_97 : f32 to vector<128x128xf32>
      %mul3A_99 = arith.mulf %broadcast_in_dim3A_96, %mul3A_98 : vector<128x128xf32>
      %add3A_100 = arith.addf %mul3A_99, %convert_element_type3A_19 : vector<128x128xf32>
      %slice3A_101 = vector.extract_strided_slice %convert_element_type3A_18 {offsets = [0, 12], sizes = [128, 1], strides = [1, 1]} : vector<128x32xf32> to vector<128x1xf32>
      %broadcast_in_dim3A_102 = vector.shape_cast %slice3A_101 : vector<128x1xf32> to vector<128x1xf32>
      %broadcast_in_dim3A_103 = vector.broadcast %broadcast_in_dim3A_102 : vector<128x1xf32> to vector<128x128xf32>
      %mul3A_104 = arith.constant 1.280000e+02 : f32
      %mul3A_105 = vector.broadcast %mul3A_104 : f32 to vector<128x128xf32>
      %mul3A_106 = arith.mulf %broadcast_in_dim3A_103, %mul3A_105 : vector<128x128xf32>
      %add3A_107 = arith.addf %mul3A_106, %convert_element_type3A_19 : vector<128x128xf32>
      %slice3A_108 = vector.extract_strided_slice %convert_element_type3A_18 {offsets = [0, 13], sizes = [128, 1], strides = [1, 1]} : vector<128x32xf32> to vector<128x1xf32>
      %broadcast_in_dim3A_109 = vector.shape_cast %slice3A_108 : vector<128x1xf32> to vector<128x1xf32>
      %broadcast_in_dim3A_110 = vector.broadcast %broadcast_in_dim3A_109 : vector<128x1xf32> to vector<128x128xf32>
      %mul3A_111 = arith.constant 1.280000e+02 : f32
      %mul3A_112 = vector.broadcast %mul3A_111 : f32 to vector<128x128xf32>
      %mul3A_113 = arith.mulf %broadcast_in_dim3A_110, %mul3A_112 : vector<128x128xf32>
      %add3A_114 = arith.addf %mul3A_113, %convert_element_type3A_19 : vector<128x128xf32>
      %slice3A_115 = vector.extract_strided_slice %convert_element_type3A_18 {offsets = [0, 14], sizes = [128, 1], strides = [1, 1]} : vector<128x32xf32> to vector<128x1xf32>
      %broadcast_in_dim3A_116 = vector.shape_cast %slice3A_115 : vector<128x1xf32> to vector<128x1xf32>
      %broadcast_in_dim3A_117 = vector.broadcast %broadcast_in_dim3A_116 : vector<128x1xf32> to vector<128x128xf32>
      %mul3A_118 = arith.constant 1.280000e+02 : f32
      %mul3A_119 = vector.broadcast %mul3A_118 : f32 to vector<128x128xf32>
      %mul3A_120 = arith.mulf %broadcast_in_dim3A_117, %mul3A_119 : vector<128x128xf32>
      %add3A_121 = arith.addf %mul3A_120, %convert_element_type3A_19 : vector<128x128xf32>
      %slice3A_122 = vector.extract_strided_slice %convert_element_type3A_18 {offsets = [0, 15], sizes = [128, 1], strides = [1, 1]} : vector<128x32xf32> to vector<128x1xf32>
      %broadcast_in_dim3A_123 = vector.shape_cast %slice3A_122 : vector<128x1xf32> to vector<128x1xf32>
      %broadcast_in_dim3A_124 = vector.broadcast %broadcast_in_dim3A_123 : vector<128x1xf32> to vector<128x128xf32>
      %mul3A_125 = arith.constant 1.280000e+02 : f32
      %mul3A_126 = vector.broadcast %mul3A_125 : f32 to vector<128x128xf32>
      %mul3A_127 = arith.mulf %broadcast_in_dim3A_124, %mul3A_126 : vector<128x128xf32>
      %add3A_128 = arith.addf %mul3A_127, %convert_element_type3A_19 : vector<128x128xf32>
      %slice3A_129 = vector.extract_strided_slice %convert_element_type3A_18 {offsets = [0, 16], sizes = [128, 1], strides = [1, 1]} : vector<128x32xf32> to vector<128x1xf32>
      %broadcast_in_dim3A_130 = vector.shape_cast %slice3A_129 : vector<128x1xf32> to vector<128x1xf32>
      %broadcast_in_dim3A_131 = vector.broadcast %broadcast_in_dim3A_130 : vector<128x1xf32> to vector<128x128xf32>
      %mul3A_132 = arith.constant 1.280000e+02 : f32
      %mul3A_133 = vector.broadcast %mul3A_132 : f32 to vector<128x128xf32>
      %mul3A_134 = arith.mulf %broadcast_in_dim3A_131, %mul3A_133 : vector<128x128xf32>
      %add3A_135 = arith.addf %mul3A_134, %convert_element_type3A_19 : vector<128x128xf32>
      %slice3A_136 = vector.extract_strided_slice %convert_element_type3A_18 {offsets = [0, 17], sizes = [128, 1], strides = [1, 1]} : vector<128x32xf32> to vector<128x1xf32>
      %broadcast_in_dim3A_137 = vector.shape_cast %slice3A_136 : vector<128x1xf32> to vector<128x1xf32>
      %broadcast_in_dim3A_138 = vector.broadcast %broadcast_in_dim3A_137 : vector<128x1xf32> to vector<128x128xf32>
      %mul3A_139 = arith.constant 1.280000e+02 : f32
      %mul3A_140 = vector.broadcast %mul3A_139 : f32 to vector<128x128xf32>
      %mul3A_141 = arith.mulf %broadcast_in_dim3A_138, %mul3A_140 : vector<128x128xf32>
      %add3A_142 = arith.addf %mul3A_141, %convert_element_type3A_19 : vector<128x128xf32>
      %slice3A_143 = vector.extract_strided_slice %convert_element_type3A_18 {offsets = [0, 18], sizes = [128, 1], strides = [1, 1]} : vector<128x32xf32> to vector<128x1xf32>
      %broadcast_in_dim3A_144 = vector.shape_cast %slice3A_143 : vector<128x1xf32> to vector<128x1xf32>
      %broadcast_in_dim3A_145 = vector.broadcast %broadcast_in_dim3A_144 : vector<128x1xf32> to vector<128x128xf32>
      %mul3A_146 = arith.constant 1.280000e+02 : f32
      %mul3A_147 = vector.broadcast %mul3A_146 : f32 to vector<128x128xf32>
      %mul3A_148 = arith.mulf %broadcast_in_dim3A_145, %mul3A_147 : vector<128x128xf32>
      %add3A_149 = arith.addf %mul3A_148, %convert_element_type3A_19 : vector<128x128xf32>
      %slice3A_150 = vector.extract_strided_slice %convert_element_type3A_18 {offsets = [0, 19], sizes = [128, 1], strides = [1, 1]} : vector<128x32xf32> to vector<128x1xf32>
      %broadcast_in_dim3A_151 = vector.shape_cast %slice3A_150 : vector<128x1xf32> to vector<128x1xf32>
      %broadcast_in_dim3A_152 = vector.broadcast %broadcast_in_dim3A_151 : vector<128x1xf32> to vector<128x128xf32>
      %mul3A_153 = arith.constant 1.280000e+02 : f32
      %mul3A_154 = vector.broadcast %mul3A_153 : f32 to vector<128x128xf32>
      %mul3A_155 = arith.mulf %broadcast_in_dim3A_152, %mul3A_154 : vector<128x128xf32>
      %add3A_156 = arith.addf %mul3A_155, %convert_element_type3A_19 : vector<128x128xf32>
      %slice3A_157 = vector.extract_strided_slice %convert_element_type3A_18 {offsets = [0, 20], sizes = [128, 1], strides = [1, 1]} : vector<128x32xf32> to vector<128x1xf32>
      %broadcast_in_dim3A_158 = vector.shape_cast %slice3A_157 : vector<128x1xf32> to vector<128x1xf32>
      %broadcast_in_dim3A_159 = vector.broadcast %broadcast_in_dim3A_158 : vector<128x1xf32> to vector<128x128xf32>
      %mul3A_160 = arith.constant 1.280000e+02 : f32
      %mul3A_161 = vector.broadcast %mul3A_160 : f32 to vector<128x128xf32>
      %mul3A_162 = arith.mulf %broadcast_in_dim3A_159, %mul3A_161 : vector<128x128xf32>
      %add3A_163 = arith.addf %mul3A_162, %convert_element_type3A_19 : vector<128x128xf32>
      %slice3A_164 = vector.extract_strided_slice %convert_element_type3A_18 {offsets = [0, 21], sizes = [128, 1], strides = [1, 1]} : vector<128x32xf32> to vector<128x1xf32>
      %broadcast_in_dim3A_165 = vector.shape_cast %slice3A_164 : vector<128x1xf32> to vector<128x1xf32>
      %broadcast_in_dim3A_166 = vector.broadcast %broadcast_in_dim3A_165 : vector<128x1xf32> to vector<128x128xf32>
      %mul3A_167 = arith.constant 1.280000e+02 : f32
      %mul3A_168 = vector.broadcast %mul3A_167 : f32 to vector<128x128xf32>
      %mul3A_169 = arith.mulf %broadcast_in_dim3A_166, %mul3A_168 : vector<128x128xf32>
      %add3A_170 = arith.addf %mul3A_169, %convert_element_type3A_19 : vector<128x128xf32>
      %slice3A_171 = vector.extract_strided_slice %convert_element_type3A_18 {offsets = [0, 22], sizes = [128, 1], strides = [1, 1]} : vector<128x32xf32> to vector<128x1xf32>
      %broadcast_in_dim3A_172 = vector.shape_cast %slice3A_171 : vector<128x1xf32> to vector<128x1xf32>
      %broadcast_in_dim3A_173 = vector.broadcast %broadcast_in_dim3A_172 : vector<128x1xf32> to vector<128x128xf32>
      %mul3A_174 = arith.constant 1.280000e+02 : f32
      %mul3A_175 = vector.broadcast %mul3A_174 : f32 to vector<128x128xf32>
      %mul3A_176 = arith.mulf %broadcast_in_dim3A_173, %mul3A_175 : vector<128x128xf32>
      %add3A_177 = arith.addf %mul3A_176, %convert_element_type3A_19 : vector<128x128xf32>
      %slice3A_178 = vector.extract_strided_slice %convert_element_type3A_18 {offsets = [0, 23], sizes = [128, 1], strides = [1, 1]} : vector<128x32xf32> to vector<128x1xf32>
      %broadcast_in_dim3A_179 = vector.shape_cast %slice3A_178 : vector<128x1xf32> to vector<128x1xf32>
      %broadcast_in_dim3A_180 = vector.broadcast %broadcast_in_dim3A_179 : vector<128x1xf32> to vector<128x128xf32>
      %mul3A_181 = arith.constant 1.280000e+02 : f32
      %mul3A_182 = vector.broadcast %mul3A_181 : f32 to vector<128x128xf32>
      %mul3A_183 = arith.mulf %broadcast_in_dim3A_180, %mul3A_182 : vector<128x128xf32>
      %add3A_184 = arith.addf %mul3A_183, %convert_element_type3A_19 : vector<128x128xf32>
      %slice3A_185 = vector.extract_strided_slice %convert_element_type3A_18 {offsets = [0, 24], sizes = [128, 1], strides = [1, 1]} : vector<128x32xf32> to vector<128x1xf32>
      %broadcast_in_dim3A_186 = vector.shape_cast %slice3A_185 : vector<128x1xf32> to vector<128x1xf32>
      %broadcast_in_dim3A_187 = vector.broadcast %broadcast_in_dim3A_186 : vector<128x1xf32> to vector<128x128xf32>
      %mul3A_188 = arith.constant 1.280000e+02 : f32
      %mul3A_189 = vector.broadcast %mul3A_188 : f32 to vector<128x128xf32>
      %mul3A_190 = arith.mulf %broadcast_in_dim3A_187, %mul3A_189 : vector<128x128xf32>
      %add3A_191 = arith.addf %mul3A_190, %convert_element_type3A_19 : vector<128x128xf32>
      %slice3A_192 = vector.extract_strided_slice %convert_element_type3A_18 {offsets = [0, 25], sizes = [128, 1], strides = [1, 1]} : vector<128x32xf32> to vector<128x1xf32>
      %broadcast_in_dim3A_193 = vector.shape_cast %slice3A_192 : vector<128x1xf32> to vector<128x1xf32>
      %broadcast_in_dim3A_194 = vector.broadcast %broadcast_in_dim3A_193 : vector<128x1xf32> to vector<128x128xf32>
      %mul3A_195 = arith.constant 1.280000e+02 : f32
      %mul3A_196 = vector.broadcast %mul3A_195 : f32 to vector<128x128xf32>
      %mul3A_197 = arith.mulf %broadcast_in_dim3A_194, %mul3A_196 : vector<128x128xf32>
      %add3A_198 = arith.addf %mul3A_197, %convert_element_type3A_19 : vector<128x128xf32>
      %slice3A_199 = vector.extract_strided_slice %convert_element_type3A_18 {offsets = [0, 26], sizes = [128, 1], strides = [1, 1]} : vector<128x32xf32> to vector<128x1xf32>
      %broadcast_in_dim3A_200 = vector.shape_cast %slice3A_199 : vector<128x1xf32> to vector<128x1xf32>
      %broadcast_in_dim3A_201 = vector.broadcast %broadcast_in_dim3A_200 : vector<128x1xf32> to vector<128x128xf32>
      %mul3A_202 = arith.constant 1.280000e+02 : f32
      %mul3A_203 = vector.broadcast %mul3A_202 : f32 to vector<128x128xf32>
      %mul3A_204 = arith.mulf %broadcast_in_dim3A_201, %mul3A_203 : vector<128x128xf32>
      %add3A_205 = arith.addf %mul3A_204, %convert_element_type3A_19 : vector<128x128xf32>
      %slice3A_206 = vector.extract_strided_slice %convert_element_type3A_18 {offsets = [0, 27], sizes = [128, 1], strides = [1, 1]} : vector<128x32xf32> to vector<128x1xf32>
      %broadcast_in_dim3A_207 = vector.shape_cast %slice3A_206 : vector<128x1xf32> to vector<128x1xf32>
      %broadcast_in_dim3A_208 = vector.broadcast %broadcast_in_dim3A_207 : vector<128x1xf32> to vector<128x128xf32>
      %mul3A_209 = arith.constant 1.280000e+02 : f32
      %mul3A_210 = vector.broadcast %mul3A_209 : f32 to vector<128x128xf32>
      %mul3A_211 = arith.mulf %broadcast_in_dim3A_208, %mul3A_210 : vector<128x128xf32>
      %add3A_212 = arith.addf %mul3A_211, %convert_element_type3A_19 : vector<128x128xf32>
      %slice3A_213 = vector.extract_strided_slice %convert_element_type3A_18 {offsets = [0, 28], sizes = [128, 1], strides = [1, 1]} : vector<128x32xf32> to vector<128x1xf32>
      %broadcast_in_dim3A_214 = vector.shape_cast %slice3A_213 : vector<128x1xf32> to vector<128x1xf32>
      %broadcast_in_dim3A_215 = vector.broadcast %broadcast_in_dim3A_214 : vector<128x1xf32> to vector<128x128xf32>
      %mul3A_216 = arith.constant 1.280000e+02 : f32
      %mul3A_217 = vector.broadcast %mul3A_216 : f32 to vector<128x128xf32>
      %mul3A_218 = arith.mulf %broadcast_in_dim3A_215, %mul3A_217 : vector<128x128xf32>
      %add3A_219 = arith.addf %mul3A_218, %convert_element_type3A_19 : vector<128x128xf32>
      %slice3A_220 = vector.extract_strided_slice %convert_element_type3A_18 {offsets = [0, 29], sizes = [128, 1], strides = [1, 1]} : vector<128x32xf32> to vector<128x1xf32>
      %broadcast_in_dim3A_221 = vector.shape_cast %slice3A_220 : vector<128x1xf32> to vector<128x1xf32>
      %broadcast_in_dim3A_222 = vector.broadcast %broadcast_in_dim3A_221 : vector<128x1xf32> to vector<128x128xf32>
      %mul3A_223 = arith.constant 1.280000e+02 : f32
      %mul3A_224 = vector.broadcast %mul3A_223 : f32 to vector<128x128xf32>
      %mul3A_225 = arith.mulf %broadcast_in_dim3A_222, %mul3A_224 : vector<128x128xf32>
      %add3A_226 = arith.addf %mul3A_225, %convert_element_type3A_19 : vector<128x128xf32>
      %slice3A_227 = vector.extract_strided_slice %convert_element_type3A_18 {offsets = [0, 30], sizes = [128, 1], strides = [1, 1]} : vector<128x32xf32> to vector<128x1xf32>
      %broadcast_in_dim3A_228 = vector.shape_cast %slice3A_227 : vector<128x1xf32> to vector<128x1xf32>
      %broadcast_in_dim3A_229 = vector.broadcast %broadcast_in_dim3A_228 : vector<128x1xf32> to vector<128x128xf32>
      %mul3A_230 = arith.constant 1.280000e+02 : f32
      %mul3A_231 = vector.broadcast %mul3A_230 : f32 to vector<128x128xf32>
      %mul3A_232 = arith.mulf %broadcast_in_dim3A_229, %mul3A_231 : vector<128x128xf32>
      %add3A_233 = arith.addf %mul3A_232, %convert_element_type3A_19 : vector<128x128xf32>
      %slice3A_234 = vector.extract_strided_slice %convert_element_type3A_18 {offsets = [0, 31], sizes = [128, 1], strides = [1, 1]} : vector<128x32xf32> to vector<128x1xf32>
      %broadcast_in_dim3A_235 = vector.shape_cast %slice3A_234 : vector<128x1xf32> to vector<128x1xf32>
      %broadcast_in_dim3A_236 = vector.broadcast %broadcast_in_dim3A_235 : vector<128x1xf32> to vector<128x128xf32>
      %mul3A_237 = arith.constant 1.280000e+02 : f32
      %mul3A_238 = vector.broadcast %mul3A_237 : f32 to vector<128x128xf32>
      %mul3A_239 = arith.mulf %broadcast_in_dim3A_236, %mul3A_238 : vector<128x128xf32>
      %add3A_240 = arith.addf %mul3A_239, %convert_element_type3A_19 : vector<128x128xf32>
      %concatenate3A = tpu.concatenate %add3A, %add3A_30, %add3A_37, %add3A_44, %add3A_51, %add3A_58, %add3A_65, %add3A_72, %add3A_79, %add3A_86, %add3A_93, %add3A_100, %add3A_107, %add3A_114, %add3A_121, %add3A_128, %add3A_135, %add3A_142, %add3A_149, %add3A_156, %add3A_163, %add3A_170, %add3A_177, %add3A_184, %add3A_191, %add3A_198, %add3A_205, %add3A_212, %add3A_219, %add3A_226, %add3A_233, %add3A_240 in 1 : vector<128x128xf32>, vector<128x128xf32>, vector<128x128xf32>, vector<128x128xf32>, vector<128x128xf32>, vector<128x128xf32>, vector<128x128xf32>, vector<128x128xf32>, vector<128x128xf32>, vector<128x128xf32>, vector<128x128xf32>, vector<128x128xf32>, vector<128x128xf32>, vector<128x128xf32>, vector<128x128xf32>, vector<128x128xf32>, vector<128x128xf32>, vector<128x128xf32>, vector<128x128xf32>, vector<128x128xf32>, vector<128x128xf32>, vector<128x128xf32>, vector<128x128xf32>, vector<128x128xf32>, vector<128x128xf32>, vector<128x128xf32>, vector<128x128xf32>, vector<128x128xf32>, vector<128x128xf32>, vector<128x128xf32>, vector<128x128xf32>, vector<128x128xf32> -> vector<128x4096xf32>
      %reduce_max3A = arith.constant dense<0xFF800000> : vector<128xf32>
      %reduce_max3A_241 = vector.multi_reduction <maximumf>, %get3A_14, %reduce_max3A [1] : vector<128x4096xf32> to vector<128xf32>
      %broadcast_in_dim3A_242 = vector.shape_cast %reduce_max3A_241 : vector<128xf32> to vector<128x1xf32>
      %eq3A_243 = vector.broadcast %broadcast_in_dim3A_242 : vector<128x1xf32> to vector<128x4096xf32>
      %eq3A_244 = arith.cmpf oeq, %get3A_14, %eq3A_243 : vector<128x4096xf32>
      %jit3A_245 = arith.constant 1.07374182E+9 : f32
      %broadcast_in_dim3A_246 = vector.broadcast %jit3A_245 : f32 to vector<128x4096xf32>
      %select_n3A_247 = arith.select %eq3A_244, %concatenate3A, %broadcast_in_dim3A_246 : vector<128x4096xi1>, vector<128x4096xf32>
      %reduce_min3A = arith.constant dense<0x7F800000> : vector<128xf32>
      %reduce_min3A_248 = vector.multi_reduction <minimumf>, %select_n3A_247, %reduce_min3A [1] : vector<128x4096xf32> to vector<128xf32>
      %broadcast_in_dim3A_249 = vector.shape_cast %reduce_min3A_248 : vector<128xf32> to vector<128x1xf32>
      %max3A_250 = arith.constant 0.000000e+00 : f32
      %max3A_251 = vector.broadcast %max3A_250 : f32 to vector<128x1xf32>
      %max3A_252 = arith.maximumf %broadcast_in_dim3A_242, %max3A_251 : vector<128x1xf32>
      %eq3A_253 = vector.broadcast %broadcast_in_dim3A_249 : vector<128x1xf32> to vector<128x4096xf32>
      %eq3A_254 = arith.cmpf oeq, %concatenate3A, %eq3A_253 : vector<128x4096xf32>
      %jit3A_255 = arith.constant 0xFF800000 : f32
      %broadcast_in_dim3A_256 = vector.broadcast %jit3A_255 : f32 to vector<128x4096xf32>
      %select_n3A_257 = arith.select %eq3A_254, %broadcast_in_dim3A_256, %get3A_14 : vector<128x4096xi1>, vector<128x4096xf32>
      %reduce_max3A_258 = arith.constant dense<0xFF800000> : vector<128xf32>
      %reduce_max3A_259 = vector.multi_reduction <maximumf>, %select_n3A_257, %reduce_max3A_258 [1] : vector<128x4096xf32> to vector<128xf32>
      %broadcast_in_dim3A_260 = vector.shape_cast %reduce_max3A_259 : vector<128xf32> to vector<128x1xf32>
      %eq3A_261 = vector.broadcast %broadcast_in_dim3A_260 : vector<128x1xf32> to vector<128x4096xf32>
      %eq3A_262 = arith.cmpf oeq, %select_n3A_257, %eq3A_261 : vector<128x4096xf32>
      %jit3A_263 = arith.constant 1.07374182E+9 : f32
      %broadcast_in_dim3A_264 = vector.broadcast %jit3A_263 : f32 to vector<128x4096xf32>
      %select_n3A_265 = arith.select %eq3A_262, %concatenate3A, %broadcast_in_dim3A_264 : vector<128x4096xi1>, vector<128x4096xf32>
      %reduce_min3A_266 = arith.constant dense<0x7F800000> : vector<128xf32>
      %reduce_min3A_267 = vector.multi_reduction <minimumf>, %select_n3A_265, %reduce_min3A_266 [1] : vector<128x4096xf32> to vector<128xf32>
      %broadcast_in_dim3A_268 = vector.shape_cast %reduce_min3A_267 : vector<128xf32> to vector<128x1xf32>
      %max3A_269 = arith.constant 0.000000e+00 : f32
      %max3A_270 = vector.broadcast %max3A_269 : f32 to vector<128x1xf32>
      %max3A_271 = arith.maximumf %broadcast_in_dim3A_260, %max3A_270 : vector<128x1xf32>
      %eq3A_272 = vector.broadcast %broadcast_in_dim3A_268 : vector<128x1xf32> to vector<128x4096xf32>
      %eq3A_273 = arith.cmpf oeq, %concatenate3A, %eq3A_272 : vector<128x4096xf32>
      %jit3A_274 = arith.constant 0xFF800000 : f32
      %broadcast_in_dim3A_275 = vector.broadcast %jit3A_274 : f32 to vector<128x4096xf32>
      %select_n3A_276 = arith.select %eq3A_273, %broadcast_in_dim3A_275, %select_n3A_257 : vector<128x4096xi1>, vector<128x4096xf32>
      %reduce_max3A_277 = arith.constant dense<0xFF800000> : vector<128xf32>
      %reduce_max3A_278 = vector.multi_reduction <maximumf>, %select_n3A_276, %reduce_max3A_277 [1] : vector<128x4096xf32> to vector<128xf32>
      %broadcast_in_dim3A_279 = vector.shape_cast %reduce_max3A_278 : vector<128xf32> to vector<128x1xf32>
      %eq3A_280 = vector.broadcast %broadcast_in_dim3A_279 : vector<128x1xf32> to vector<128x4096xf32>
      %eq3A_281 = arith.cmpf oeq, %select_n3A_276, %eq3A_280 : vector<128x4096xf32>
      %jit3A_282 = arith.constant 1.07374182E+9 : f32
      %broadcast_in_dim3A_283 = vector.broadcast %jit3A_282 : f32 to vector<128x4096xf32>
      %select_n3A_284 = arith.select %eq3A_281, %concatenate3A, %broadcast_in_dim3A_283 : vector<128x4096xi1>, vector<128x4096xf32>
      %reduce_min3A_285 = arith.constant dense<0x7F800000> : vector<128xf32>
      %reduce_min3A_286 = vector.multi_reduction <minimumf>, %select_n3A_284, %reduce_min3A_285 [1] : vector<128x4096xf32> to vector<128xf32>
      %broadcast_in_dim3A_287 = vector.shape_cast %reduce_min3A_286 : vector<128xf32> to vector<128x1xf32>
      %max3A_288 = arith.constant 0.000000e+00 : f32
      %max3A_289 = vector.broadcast %max3A_288 : f32 to vector<128x1xf32>
      %max3A_290 = arith.maximumf %broadcast_in_dim3A_279, %max3A_289 : vector<128x1xf32>
      %eq3A_291 = vector.broadcast %broadcast_in_dim3A_287 : vector<128x1xf32> to vector<128x4096xf32>
      %eq3A_292 = arith.cmpf oeq, %concatenate3A, %eq3A_291 : vector<128x4096xf32>
      %jit3A_293 = arith.constant 0xFF800000 : f32
      %broadcast_in_dim3A_294 = vector.broadcast %jit3A_293 : f32 to vector<128x4096xf32>
      %select_n3A_295 = arith.select %eq3A_292, %broadcast_in_dim3A_294, %select_n3A_276 : vector<128x4096xi1>, vector<128x4096xf32>
      %reduce_max3A_296 = arith.constant dense<0xFF800000> : vector<128xf32>
      %reduce_max3A_297 = vector.multi_reduction <maximumf>, %select_n3A_295, %reduce_max3A_296 [1] : vector<128x4096xf32> to vector<128xf32>
      %broadcast_in_dim3A_298 = vector.shape_cast %reduce_max3A_297 : vector<128xf32> to vector<128x1xf32>
      %eq3A_299 = vector.broadcast %broadcast_in_dim3A_298 : vector<128x1xf32> to vector<128x4096xf32>
      %eq3A_300 = arith.cmpf oeq, %select_n3A_295, %eq3A_299 : vector<128x4096xf32>
      %jit3A_301 = arith.constant 1.07374182E+9 : f32
      %broadcast_in_dim3A_302 = vector.broadcast %jit3A_301 : f32 to vector<128x4096xf32>
      %select_n3A_303 = arith.select %eq3A_300, %concatenate3A, %broadcast_in_dim3A_302 : vector<128x4096xi1>, vector<128x4096xf32>
      %reduce_min3A_304 = arith.constant dense<0x7F800000> : vector<128xf32>
      %reduce_min3A_305 = vector.multi_reduction <minimumf>, %select_n3A_303, %reduce_min3A_304 [1] : vector<128x4096xf32> to vector<128xf32>
      %broadcast_in_dim3A_306 = vector.shape_cast %reduce_min3A_305 : vector<128xf32> to vector<128x1xf32>
      %max3A_307 = arith.constant 0.000000e+00 : f32
      %max3A_308 = vector.broadcast %max3A_307 : f32 to vector<128x1xf32>
      %max3A_309 = arith.maximumf %broadcast_in_dim3A_298, %max3A_308 : vector<128x1xf32>
      %eq3A_310 = vector.broadcast %broadcast_in_dim3A_306 : vector<128x1xf32> to vector<128x4096xf32>
      %eq3A_311 = arith.cmpf oeq, %concatenate3A, %eq3A_310 : vector<128x4096xf32>
      %jit3A_312 = arith.constant 0xFF800000 : f32
      %broadcast_in_dim3A_313 = vector.broadcast %jit3A_312 : f32 to vector<128x4096xf32>
      %select_n3A_314 = arith.select %eq3A_311, %broadcast_in_dim3A_313, %select_n3A_295 : vector<128x4096xi1>, vector<128x4096xf32>
      %reduce_max3A_315 = arith.constant dense<0xFF800000> : vector<128xf32>
      %reduce_max3A_316 = vector.multi_reduction <maximumf>, %select_n3A_314, %reduce_max3A_315 [1] : vector<128x4096xf32> to vector<128xf32>
      %broadcast_in_dim3A_317 = vector.shape_cast %reduce_max3A_316 : vector<128xf32> to vector<128x1xf32>
      %eq3A_318 = vector.broadcast %broadcast_in_dim3A_317 : vector<128x1xf32> to vector<128x4096xf32>
      %eq3A_319 = arith.cmpf oeq, %select_n3A_314, %eq3A_318 : vector<128x4096xf32>
      %jit3A_320 = arith.constant 1.07374182E+9 : f32
      %broadcast_in_dim3A_321 = vector.broadcast %jit3A_320 : f32 to vector<128x4096xf32>
      %select_n3A_322 = arith.select %eq3A_319, %concatenate3A, %broadcast_in_dim3A_321 : vector<128x4096xi1>, vector<128x4096xf32>
      %reduce_min3A_323 = arith.constant dense<0x7F800000> : vector<128xf32>
      %reduce_min3A_324 = vector.multi_reduction <minimumf>, %select_n3A_322, %reduce_min3A_323 [1] : vector<128x4096xf32> to vector<128xf32>
      %broadcast_in_dim3A_325 = vector.shape_cast %reduce_min3A_324 : vector<128xf32> to vector<128x1xf32>
      %max3A_326 = arith.constant 0.000000e+00 : f32
      %max3A_327 = vector.broadcast %max3A_326 : f32 to vector<128x1xf32>
      %max3A_328 = arith.maximumf %broadcast_in_dim3A_317, %max3A_327 : vector<128x1xf32>
      %eq3A_329 = vector.broadcast %broadcast_in_dim3A_325 : vector<128x1xf32> to vector<128x4096xf32>
      %eq3A_330 = arith.cmpf oeq, %concatenate3A, %eq3A_329 : vector<128x4096xf32>
      %jit3A_331 = arith.constant 0xFF800000 : f32
      %broadcast_in_dim3A_332 = vector.broadcast %jit3A_331 : f32 to vector<128x4096xf32>
      %select_n3A_333 = arith.select %eq3A_330, %broadcast_in_dim3A_332, %select_n3A_314 : vector<128x4096xi1>, vector<128x4096xf32>
      %reduce_max3A_334 = arith.constant dense<0xFF800000> : vector<128xf32>
      %reduce_max3A_335 = vector.multi_reduction <maximumf>, %select_n3A_333, %reduce_max3A_334 [1] : vector<128x4096xf32> to vector<128xf32>
      %broadcast_in_dim3A_336 = vector.shape_cast %reduce_max3A_335 : vector<128xf32> to vector<128x1xf32>
      %eq3A_337 = vector.broadcast %broadcast_in_dim3A_336 : vector<128x1xf32> to vector<128x4096xf32>
      %eq3A_338 = arith.cmpf oeq, %select_n3A_333, %eq3A_337 : vector<128x4096xf32>
      %jit3A_339 = arith.constant 1.07374182E+9 : f32
      %broadcast_in_dim3A_340 = vector.broadcast %jit3A_339 : f32 to vector<128x4096xf32>
      %select_n3A_341 = arith.select %eq3A_338, %concatenate3A, %broadcast_in_dim3A_340 : vector<128x4096xi1>, vector<128x4096xf32>
      %reduce_min3A_342 = arith.constant dense<0x7F800000> : vector<128xf32>
      %reduce_min3A_343 = vector.multi_reduction <minimumf>, %select_n3A_341, %reduce_min3A_342 [1] : vector<128x4096xf32> to vector<128xf32>
      %broadcast_in_dim3A_344 = vector.shape_cast %reduce_min3A_343 : vector<128xf32> to vector<128x1xf32>
      %max3A_345 = arith.constant 0.000000e+00 : f32
      %max3A_346 = vector.broadcast %max3A_345 : f32 to vector<128x1xf32>
      %max3A_347 = arith.maximumf %broadcast_in_dim3A_336, %max3A_346 : vector<128x1xf32>
      %eq3A_348 = vector.broadcast %broadcast_in_dim3A_344 : vector<128x1xf32> to vector<128x4096xf32>
      %eq3A_349 = arith.cmpf oeq, %concatenate3A, %eq3A_348 : vector<128x4096xf32>
      %jit3A_350 = arith.constant 0xFF800000 : f32
      %broadcast_in_dim3A_351 = vector.broadcast %jit3A_350 : f32 to vector<128x4096xf32>
      %select_n3A_352 = arith.select %eq3A_349, %broadcast_in_dim3A_351, %select_n3A_333 : vector<128x4096xi1>, vector<128x4096xf32>
      %reduce_max3A_353 = arith.constant dense<0xFF800000> : vector<128xf32>
      %reduce_max3A_354 = vector.multi_reduction <maximumf>, %select_n3A_352, %reduce_max3A_353 [1] : vector<128x4096xf32> to vector<128xf32>
      %broadcast_in_dim3A_355 = vector.shape_cast %reduce_max3A_354 : vector<128xf32> to vector<128x1xf32>
      %eq3A_356 = vector.broadcast %broadcast_in_dim3A_355 : vector<128x1xf32> to vector<128x4096xf32>
      %eq3A_357 = arith.cmpf oeq, %select_n3A_352, %eq3A_356 : vector<128x4096xf32>
      %jit3A_358 = arith.constant 1.07374182E+9 : f32
      %broadcast_in_dim3A_359 = vector.broadcast %jit3A_358 : f32 to vector<128x4096xf32>
      %select_n3A_360 = arith.select %eq3A_357, %concatenate3A, %broadcast_in_dim3A_359 : vector<128x4096xi1>, vector<128x4096xf32>
      %reduce_min3A_361 = arith.constant dense<0x7F800000> : vector<128xf32>
      %reduce_min3A_362 = vector.multi_reduction <minimumf>, %select_n3A_360, %reduce_min3A_361 [1] : vector<128x4096xf32> to vector<128xf32>
      %broadcast_in_dim3A_363 = vector.shape_cast %reduce_min3A_362 : vector<128xf32> to vector<128x1xf32>
      %max3A_364 = arith.constant 0.000000e+00 : f32
      %max3A_365 = vector.broadcast %max3A_364 : f32 to vector<128x1xf32>
      %max3A_366 = arith.maximumf %broadcast_in_dim3A_355, %max3A_365 : vector<128x1xf32>
      %eq3A_367 = vector.broadcast %broadcast_in_dim3A_363 : vector<128x1xf32> to vector<128x4096xf32>
      %eq3A_368 = arith.cmpf oeq, %concatenate3A, %eq3A_367 : vector<128x4096xf32>
      %jit3A_369 = arith.constant 0xFF800000 : f32
      %broadcast_in_dim3A_370 = vector.broadcast %jit3A_369 : f32 to vector<128x4096xf32>
      %select_n3A_371 = arith.select %eq3A_368, %broadcast_in_dim3A_370, %select_n3A_352 : vector<128x4096xi1>, vector<128x4096xf32>
      %reduce_max3A_372 = arith.constant dense<0xFF800000> : vector<128xf32>
      %reduce_max3A_373 = vector.multi_reduction <maximumf>, %select_n3A_371, %reduce_max3A_372 [1] : vector<128x4096xf32> to vector<128xf32>
      %broadcast_in_dim3A_374 = vector.shape_cast %reduce_max3A_373 : vector<128xf32> to vector<128x1xf32>
      %eq3A_375 = vector.broadcast %broadcast_in_dim3A_374 : vector<128x1xf32> to vector<128x4096xf32>
      %eq3A_376 = arith.cmpf oeq, %select_n3A_371, %eq3A_375 : vector<128x4096xf32>
      %jit3A_377 = arith.constant 1.07374182E+9 : f32
      %broadcast_in_dim3A_378 = vector.broadcast %jit3A_377 : f32 to vector<128x4096xf32>
      %select_n3A_379 = arith.select %eq3A_376, %concatenate3A, %broadcast_in_dim3A_378 : vector<128x4096xi1>, vector<128x4096xf32>
      %reduce_min3A_380 = arith.constant dense<0x7F800000> : vector<128xf32>
      %reduce_min3A_381 = vector.multi_reduction <minimumf>, %select_n3A_379, %reduce_min3A_380 [1] : vector<128x4096xf32> to vector<128xf32>
      %broadcast_in_dim3A_382 = vector.shape_cast %reduce_min3A_381 : vector<128xf32> to vector<128x1xf32>
      %max3A_383 = arith.constant 0.000000e+00 : f32
      %max3A_384 = vector.broadcast %max3A_383 : f32 to vector<128x1xf32>
      %max3A_385 = arith.maximumf %broadcast_in_dim3A_374, %max3A_384 : vector<128x1xf32>
      %eq3A_386 = vector.broadcast %broadcast_in_dim3A_382 : vector<128x1xf32> to vector<128x4096xf32>
      %eq3A_387 = arith.cmpf oeq, %concatenate3A, %eq3A_386 : vector<128x4096xf32>
      %jit3A_388 = arith.constant 0xFF800000 : f32
      %broadcast_in_dim3A_389 = vector.broadcast %jit3A_388 : f32 to vector<128x4096xf32>
      %select_n3A_390 = arith.select %eq3A_387, %broadcast_in_dim3A_389, %select_n3A_371 : vector<128x4096xi1>, vector<128x4096xf32>
      %reduce_max3A_391 = arith.constant dense<0xFF800000> : vector<128xf32>
      %reduce_max3A_392 = vector.multi_reduction <maximumf>, %select_n3A_390, %reduce_max3A_391 [1] : vector<128x4096xf32> to vector<128xf32>
      %broadcast_in_dim3A_393 = vector.shape_cast %reduce_max3A_392 : vector<128xf32> to vector<128x1xf32>
      %eq3A_394 = vector.broadcast %broadcast_in_dim3A_393 : vector<128x1xf32> to vector<128x4096xf32>
      %eq3A_395 = arith.cmpf oeq, %select_n3A_390, %eq3A_394 : vector<128x4096xf32>
      %jit3A_396 = arith.constant 1.07374182E+9 : f32
      %broadcast_in_dim3A_397 = vector.broadcast %jit3A_396 : f32 to vector<128x4096xf32>
      %select_n3A_398 = arith.select %eq3A_395, %concatenate3A, %broadcast_in_dim3A_397 : vector<128x4096xi1>, vector<128x4096xf32>
      %reduce_min3A_399 = arith.constant dense<0x7F800000> : vector<128xf32>
      %reduce_min3A_400 = vector.multi_reduction <minimumf>, %select_n3A_398, %reduce_min3A_399 [1] : vector<128x4096xf32> to vector<128xf32>
      %broadcast_in_dim3A_401 = vector.shape_cast %reduce_min3A_400 : vector<128xf32> to vector<128x1xf32>
      %max3A_402 = arith.constant 0.000000e+00 : f32
      %max3A_403 = vector.broadcast %max3A_402 : f32 to vector<128x1xf32>
      %max3A_404 = arith.maximumf %broadcast_in_dim3A_393, %max3A_403 : vector<128x1xf32>
      %eq3A_405 = vector.broadcast %broadcast_in_dim3A_401 : vector<128x1xf32> to vector<128x4096xf32>
      %eq3A_406 = arith.cmpf oeq, %concatenate3A, %eq3A_405 : vector<128x4096xf32>
      %jit3A_407 = arith.constant 0xFF800000 : f32
      %broadcast_in_dim3A_408 = vector.broadcast %jit3A_407 : f32 to vector<128x4096xf32>
      %select_n3A_409 = arith.select %eq3A_406, %broadcast_in_dim3A_408, %select_n3A_390 : vector<128x4096xi1>, vector<128x4096xf32>
      %reduce_max3A_410 = arith.constant dense<0xFF800000> : vector<128xf32>
      %reduce_max3A_411 = vector.multi_reduction <maximumf>, %select_n3A_409, %reduce_max3A_410 [1] : vector<128x4096xf32> to vector<128xf32>
      %broadcast_in_dim3A_412 = vector.shape_cast %reduce_max3A_411 : vector<128xf32> to vector<128x1xf32>
      %eq3A_413 = vector.broadcast %broadcast_in_dim3A_412 : vector<128x1xf32> to vector<128x4096xf32>
      %eq3A_414 = arith.cmpf oeq, %select_n3A_409, %eq3A_413 : vector<128x4096xf32>
      %jit3A_415 = arith.constant 1.07374182E+9 : f32
      %broadcast_in_dim3A_416 = vector.broadcast %jit3A_415 : f32 to vector<128x4096xf32>
      %select_n3A_417 = arith.select %eq3A_414, %concatenate3A, %broadcast_in_dim3A_416 : vector<128x4096xi1>, vector<128x4096xf32>
      %reduce_min3A_418 = arith.constant dense<0x7F800000> : vector<128xf32>
      %reduce_min3A_419 = vector.multi_reduction <minimumf>, %select_n3A_417, %reduce_min3A_418 [1] : vector<128x4096xf32> to vector<128xf32>
      %broadcast_in_dim3A_420 = vector.shape_cast %reduce_min3A_419 : vector<128xf32> to vector<128x1xf32>
      %max3A_421 = arith.constant 0.000000e+00 : f32
      %max3A_422 = vector.broadcast %max3A_421 : f32 to vector<128x1xf32>
      %max3A_423 = arith.maximumf %broadcast_in_dim3A_412, %max3A_422 : vector<128x1xf32>
      %eq3A_424 = vector.broadcast %broadcast_in_dim3A_420 : vector<128x1xf32> to vector<128x4096xf32>
      %eq3A_425 = arith.cmpf oeq, %concatenate3A, %eq3A_424 : vector<128x4096xf32>
      %jit3A_426 = arith.constant 0xFF800000 : f32
      %broadcast_in_dim3A_427 = vector.broadcast %jit3A_426 : f32 to vector<128x4096xf32>
      %select_n3A_428 = arith.select %eq3A_425, %broadcast_in_dim3A_427, %select_n3A_409 : vector<128x4096xi1>, vector<128x4096xf32>
      %reduce_max3A_429 = arith.constant dense<0xFF800000> : vector<128xf32>
      %reduce_max3A_430 = vector.multi_reduction <maximumf>, %select_n3A_428, %reduce_max3A_429 [1] : vector<128x4096xf32> to vector<128xf32>
      %broadcast_in_dim3A_431 = vector.shape_cast %reduce_max3A_430 : vector<128xf32> to vector<128x1xf32>
      %eq3A_432 = vector.broadcast %broadcast_in_dim3A_431 : vector<128x1xf32> to vector<128x4096xf32>
      %eq3A_433 = arith.cmpf oeq, %select_n3A_428, %eq3A_432 : vector<128x4096xf32>
      %jit3A_434 = arith.constant 1.07374182E+9 : f32
      %broadcast_in_dim3A_435 = vector.broadcast %jit3A_434 : f32 to vector<128x4096xf32>
      %select_n3A_436 = arith.select %eq3A_433, %concatenate3A, %broadcast_in_dim3A_435 : vector<128x4096xi1>, vector<128x4096xf32>
      %reduce_min3A_437 = arith.constant dense<0x7F800000> : vector<128xf32>
      %reduce_min3A_438 = vector.multi_reduction <minimumf>, %select_n3A_436, %reduce_min3A_437 [1] : vector<128x4096xf32> to vector<128xf32>
      %broadcast_in_dim3A_439 = vector.shape_cast %reduce_min3A_438 : vector<128xf32> to vector<128x1xf32>
      %max3A_440 = arith.constant 0.000000e+00 : f32
      %max3A_441 = vector.broadcast %max3A_440 : f32 to vector<128x1xf32>
      %max3A_442 = arith.maximumf %broadcast_in_dim3A_431, %max3A_441 : vector<128x1xf32>
      %eq3A_443 = vector.broadcast %broadcast_in_dim3A_439 : vector<128x1xf32> to vector<128x4096xf32>
      %eq3A_444 = arith.cmpf oeq, %concatenate3A, %eq3A_443 : vector<128x4096xf32>
      %jit3A_445 = arith.constant 0xFF800000 : f32
      %broadcast_in_dim3A_446 = vector.broadcast %jit3A_445 : f32 to vector<128x4096xf32>
      %select_n3A_447 = arith.select %eq3A_444, %broadcast_in_dim3A_446, %select_n3A_428 : vector<128x4096xi1>, vector<128x4096xf32>
      %reduce_max3A_448 = arith.constant dense<0xFF800000> : vector<128xf32>
      %reduce_max3A_449 = vector.multi_reduction <maximumf>, %select_n3A_447, %reduce_max3A_448 [1] : vector<128x4096xf32> to vector<128xf32>
      %broadcast_in_dim3A_450 = vector.shape_cast %reduce_max3A_449 : vector<128xf32> to vector<128x1xf32>
      %eq3A_451 = vector.broadcast %broadcast_in_dim3A_450 : vector<128x1xf32> to vector<128x4096xf32>
      %eq3A_452 = arith.cmpf oeq, %select_n3A_447, %eq3A_451 : vector<128x4096xf32>
      %jit3A_453 = arith.constant 1.07374182E+9 : f32
      %broadcast_in_dim3A_454 = vector.broadcast %jit3A_453 : f32 to vector<128x4096xf32>
      %select_n3A_455 = arith.select %eq3A_452, %concatenate3A, %broadcast_in_dim3A_454 : vector<128x4096xi1>, vector<128x4096xf32>
      %reduce_min3A_456 = arith.constant dense<0x7F800000> : vector<128xf32>
      %reduce_min3A_457 = vector.multi_reduction <minimumf>, %select_n3A_455, %reduce_min3A_456 [1] : vector<128x4096xf32> to vector<128xf32>
      %broadcast_in_dim3A_458 = vector.shape_cast %reduce_min3A_457 : vector<128xf32> to vector<128x1xf32>
      %max3A_459 = arith.constant 0.000000e+00 : f32
      %max3A_460 = vector.broadcast %max3A_459 : f32 to vector<128x1xf32>
      %max3A_461 = arith.maximumf %broadcast_in_dim3A_450, %max3A_460 : vector<128x1xf32>
      %eq3A_462 = vector.broadcast %broadcast_in_dim3A_458 : vector<128x1xf32> to vector<128x4096xf32>
      %eq3A_463 = arith.cmpf oeq, %concatenate3A, %eq3A_462 : vector<128x4096xf32>
      %jit3A_464 = arith.constant 0xFF800000 : f32
      %broadcast_in_dim3A_465 = vector.broadcast %jit3A_464 : f32 to vector<128x4096xf32>
      %select_n3A_466 = arith.select %eq3A_463, %broadcast_in_dim3A_465, %select_n3A_447 : vector<128x4096xi1>, vector<128x4096xf32>
      %reduce_max3A_467 = arith.constant dense<0xFF800000> : vector<128xf32>
      %reduce_max3A_468 = vector.multi_reduction <maximumf>, %select_n3A_466, %reduce_max3A_467 [1] : vector<128x4096xf32> to vector<128xf32>
      %broadcast_in_dim3A_469 = vector.shape_cast %reduce_max3A_468 : vector<128xf32> to vector<128x1xf32>
      %eq3A_470 = vector.broadcast %broadcast_in_dim3A_469 : vector<128x1xf32> to vector<128x4096xf32>
      %eq3A_471 = arith.cmpf oeq, %select_n3A_466, %eq3A_470 : vector<128x4096xf32>
      %jit3A_472 = arith.constant 1.07374182E+9 : f32
      %broadcast_in_dim3A_473 = vector.broadcast %jit3A_472 : f32 to vector<128x4096xf32>
      %select_n3A_474 = arith.select %eq3A_471, %concatenate3A, %broadcast_in_dim3A_473 : vector<128x4096xi1>, vector<128x4096xf32>
      %reduce_min3A_475 = arith.constant dense<0x7F800000> : vector<128xf32>
      %reduce_min3A_476 = vector.multi_reduction <minimumf>, %select_n3A_474, %reduce_min3A_475 [1] : vector<128x4096xf32> to vector<128xf32>
      %broadcast_in_dim3A_477 = vector.shape_cast %reduce_min3A_476 : vector<128xf32> to vector<128x1xf32>
      %max3A_478 = arith.constant 0.000000e+00 : f32
      %max3A_479 = vector.broadcast %max3A_478 : f32 to vector<128x1xf32>
      %max3A_480 = arith.maximumf %broadcast_in_dim3A_469, %max3A_479 : vector<128x1xf32>
      %eq3A_481 = vector.broadcast %broadcast_in_dim3A_477 : vector<128x1xf32> to vector<128x4096xf32>
      %eq3A_482 = arith.cmpf oeq, %concatenate3A, %eq3A_481 : vector<128x4096xf32>
      %jit3A_483 = arith.constant 0xFF800000 : f32
      %broadcast_in_dim3A_484 = vector.broadcast %jit3A_483 : f32 to vector<128x4096xf32>
      %select_n3A_485 = arith.select %eq3A_482, %broadcast_in_dim3A_484, %select_n3A_466 : vector<128x4096xi1>, vector<128x4096xf32>
      %reduce_max3A_486 = arith.constant dense<0xFF800000> : vector<128xf32>
      %reduce_max3A_487 = vector.multi_reduction <maximumf>, %select_n3A_485, %reduce_max3A_486 [1] : vector<128x4096xf32> to vector<128xf32>
      %broadcast_in_dim3A_488 = vector.shape_cast %reduce_max3A_487 : vector<128xf32> to vector<128x1xf32>
      %eq3A_489 = vector.broadcast %broadcast_in_dim3A_488 : vector<128x1xf32> to vector<128x4096xf32>
      %eq3A_490 = arith.cmpf oeq, %select_n3A_485, %eq3A_489 : vector<128x4096xf32>
      %jit3A_491 = arith.constant 1.07374182E+9 : f32
      %broadcast_in_dim3A_492 = vector.broadcast %jit3A_491 : f32 to vector<128x4096xf32>
      %select_n3A_493 = arith.select %eq3A_490, %concatenate3A, %broadcast_in_dim3A_492 : vector<128x4096xi1>, vector<128x4096xf32>
      %reduce_min3A_494 = arith.constant dense<0x7F800000> : vector<128xf32>
      %reduce_min3A_495 = vector.multi_reduction <minimumf>, %select_n3A_493, %reduce_min3A_494 [1] : vector<128x4096xf32> to vector<128xf32>
      %broadcast_in_dim3A_496 = vector.shape_cast %reduce_min3A_495 : vector<128xf32> to vector<128x1xf32>
      %max3A_497 = arith.constant 0.000000e+00 : f32
      %max3A_498 = vector.broadcast %max3A_497 : f32 to vector<128x1xf32>
      %max3A_499 = arith.maximumf %broadcast_in_dim3A_488, %max3A_498 : vector<128x1xf32>
      %eq3A_500 = vector.broadcast %broadcast_in_dim3A_496 : vector<128x1xf32> to vector<128x4096xf32>
      %eq3A_501 = arith.cmpf oeq, %concatenate3A, %eq3A_500 : vector<128x4096xf32>
      %jit3A_502 = arith.constant 0xFF800000 : f32
      %broadcast_in_dim3A_503 = vector.broadcast %jit3A_502 : f32 to vector<128x4096xf32>
      %select_n3A_504 = arith.select %eq3A_501, %broadcast_in_dim3A_503, %select_n3A_485 : vector<128x4096xi1>, vector<128x4096xf32>
      %reduce_max3A_505 = arith.constant dense<0xFF800000> : vector<128xf32>
      %reduce_max3A_506 = vector.multi_reduction <maximumf>, %select_n3A_504, %reduce_max3A_505 [1] : vector<128x4096xf32> to vector<128xf32>
      %broadcast_in_dim3A_507 = vector.shape_cast %reduce_max3A_506 : vector<128xf32> to vector<128x1xf32>
      %eq3A_508 = vector.broadcast %broadcast_in_dim3A_507 : vector<128x1xf32> to vector<128x4096xf32>
      %eq3A_509 = arith.cmpf oeq, %select_n3A_504, %eq3A_508 : vector<128x4096xf32>
      %jit3A_510 = arith.constant 1.07374182E+9 : f32
      %broadcast_in_dim3A_511 = vector.broadcast %jit3A_510 : f32 to vector<128x4096xf32>
      %select_n3A_512 = arith.select %eq3A_509, %concatenate3A, %broadcast_in_dim3A_511 : vector<128x4096xi1>, vector<128x4096xf32>
      %reduce_min3A_513 = arith.constant dense<0x7F800000> : vector<128xf32>
      %reduce_min3A_514 = vector.multi_reduction <minimumf>, %select_n3A_512, %reduce_min3A_513 [1] : vector<128x4096xf32> to vector<128xf32>
      %broadcast_in_dim3A_515 = vector.shape_cast %reduce_min3A_514 : vector<128xf32> to vector<128x1xf32>
      %max3A_516 = arith.constant 0.000000e+00 : f32
      %max3A_517 = vector.broadcast %max3A_516 : f32 to vector<128x1xf32>
      %max3A_518 = arith.maximumf %broadcast_in_dim3A_507, %max3A_517 : vector<128x1xf32>
      %eq3A_519 = vector.broadcast %broadcast_in_dim3A_515 : vector<128x1xf32> to vector<128x4096xf32>
      %eq3A_520 = arith.cmpf oeq, %concatenate3A, %eq3A_519 : vector<128x4096xf32>
      %jit3A_521 = arith.constant 0xFF800000 : f32
      %broadcast_in_dim3A_522 = vector.broadcast %jit3A_521 : f32 to vector<128x4096xf32>
      %select_n3A_523 = arith.select %eq3A_520, %broadcast_in_dim3A_522, %select_n3A_504 : vector<128x4096xi1>, vector<128x4096xf32>
      %reduce_max3A_524 = arith.constant dense<0xFF800000> : vector<128xf32>
      %reduce_max3A_525 = vector.multi_reduction <maximumf>, %select_n3A_523, %reduce_max3A_524 [1] : vector<128x4096xf32> to vector<128xf32>
      %broadcast_in_dim3A_526 = vector.shape_cast %reduce_max3A_525 : vector<128xf32> to vector<128x1xf32>
      %eq3A_527 = vector.broadcast %broadcast_in_dim3A_526 : vector<128x1xf32> to vector<128x4096xf32>
      %eq3A_528 = arith.cmpf oeq, %select_n3A_523, %eq3A_527 : vector<128x4096xf32>
      %jit3A_529 = arith.constant 1.07374182E+9 : f32
      %broadcast_in_dim3A_530 = vector.broadcast %jit3A_529 : f32 to vector<128x4096xf32>
      %select_n3A_531 = arith.select %eq3A_528, %concatenate3A, %broadcast_in_dim3A_530 : vector<128x4096xi1>, vector<128x4096xf32>
      %reduce_min3A_532 = arith.constant dense<0x7F800000> : vector<128xf32>
      %reduce_min3A_533 = vector.multi_reduction <minimumf>, %select_n3A_531, %reduce_min3A_532 [1] : vector<128x4096xf32> to vector<128xf32>
      %broadcast_in_dim3A_534 = vector.shape_cast %reduce_min3A_533 : vector<128xf32> to vector<128x1xf32>
      %max3A_535 = arith.constant 0.000000e+00 : f32
      %max3A_536 = vector.broadcast %max3A_535 : f32 to vector<128x1xf32>
      %max3A_537 = arith.maximumf %broadcast_in_dim3A_526, %max3A_536 : vector<128x1xf32>
      %eq3A_538 = vector.broadcast %broadcast_in_dim3A_534 : vector<128x1xf32> to vector<128x4096xf32>
      %eq3A_539 = arith.cmpf oeq, %concatenate3A, %eq3A_538 : vector<128x4096xf32>
      %jit3A_540 = arith.constant 0xFF800000 : f32
      %broadcast_in_dim3A_541 = vector.broadcast %jit3A_540 : f32 to vector<128x4096xf32>
      %select_n3A_542 = arith.select %eq3A_539, %broadcast_in_dim3A_541, %select_n3A_523 : vector<128x4096xi1>, vector<128x4096xf32>
      %reduce_max3A_543 = arith.constant dense<0xFF800000> : vector<128xf32>
      %reduce_max3A_544 = vector.multi_reduction <maximumf>, %select_n3A_542, %reduce_max3A_543 [1] : vector<128x4096xf32> to vector<128xf32>
      %broadcast_in_dim3A_545 = vector.shape_cast %reduce_max3A_544 : vector<128xf32> to vector<128x1xf32>
      %eq3A_546 = vector.broadcast %broadcast_in_dim3A_545 : vector<128x1xf32> to vector<128x4096xf32>
      %eq3A_547 = arith.cmpf oeq, %select_n3A_542, %eq3A_546 : vector<128x4096xf32>
      %jit3A_548 = arith.constant 1.07374182E+9 : f32
      %broadcast_in_dim3A_549 = vector.broadcast %jit3A_548 : f32 to vector<128x4096xf32>
      %select_n3A_550 = arith.select %eq3A_547, %concatenate3A, %broadcast_in_dim3A_549 : vector<128x4096xi1>, vector<128x4096xf32>
      %reduce_min3A_551 = arith.constant dense<0x7F800000> : vector<128xf32>
      %reduce_min3A_552 = vector.multi_reduction <minimumf>, %select_n3A_550, %reduce_min3A_551 [1] : vector<128x4096xf32> to vector<128xf32>
      %broadcast_in_dim3A_553 = vector.shape_cast %reduce_min3A_552 : vector<128xf32> to vector<128x1xf32>
      %max3A_554 = arith.constant 0.000000e+00 : f32
      %max3A_555 = vector.broadcast %max3A_554 : f32 to vector<128x1xf32>
      %max3A_556 = arith.maximumf %broadcast_in_dim3A_545, %max3A_555 : vector<128x1xf32>
      %eq3A_557 = vector.broadcast %broadcast_in_dim3A_553 : vector<128x1xf32> to vector<128x4096xf32>
      %eq3A_558 = arith.cmpf oeq, %concatenate3A, %eq3A_557 : vector<128x4096xf32>
      %jit3A_559 = arith.constant 0xFF800000 : f32
      %broadcast_in_dim3A_560 = vector.broadcast %jit3A_559 : f32 to vector<128x4096xf32>
      %select_n3A_561 = arith.select %eq3A_558, %broadcast_in_dim3A_560, %select_n3A_542 : vector<128x4096xi1>, vector<128x4096xf32>
      %reduce_max3A_562 = arith.constant dense<0xFF800000> : vector<128xf32>
      %reduce_max3A_563 = vector.multi_reduction <maximumf>, %select_n3A_561, %reduce_max3A_562 [1] : vector<128x4096xf32> to vector<128xf32>
      %broadcast_in_dim3A_564 = vector.shape_cast %reduce_max3A_563 : vector<128xf32> to vector<128x1xf32>
      %eq3A_565 = vector.broadcast %broadcast_in_dim3A_564 : vector<128x1xf32> to vector<128x4096xf32>
      %eq3A_566 = arith.cmpf oeq, %select_n3A_561, %eq3A_565 : vector<128x4096xf32>
      %jit3A_567 = arith.constant 1.07374182E+9 : f32
      %broadcast_in_dim3A_568 = vector.broadcast %jit3A_567 : f32 to vector<128x4096xf32>
      %select_n3A_569 = arith.select %eq3A_566, %concatenate3A, %broadcast_in_dim3A_568 : vector<128x4096xi1>, vector<128x4096xf32>
      %reduce_min3A_570 = arith.constant dense<0x7F800000> : vector<128xf32>
      %reduce_min3A_571 = vector.multi_reduction <minimumf>, %select_n3A_569, %reduce_min3A_570 [1] : vector<128x4096xf32> to vector<128xf32>
      %broadcast_in_dim3A_572 = vector.shape_cast %reduce_min3A_571 : vector<128xf32> to vector<128x1xf32>
      %max3A_573 = arith.constant 0.000000e+00 : f32
      %max3A_574 = vector.broadcast %max3A_573 : f32 to vector<128x1xf32>
      %max3A_575 = arith.maximumf %broadcast_in_dim3A_564, %max3A_574 : vector<128x1xf32>
      %eq3A_576 = vector.broadcast %broadcast_in_dim3A_572 : vector<128x1xf32> to vector<128x4096xf32>
      %eq3A_577 = arith.cmpf oeq, %concatenate3A, %eq3A_576 : vector<128x4096xf32>
      %jit3A_578 = arith.constant 0xFF800000 : f32
      %broadcast_in_dim3A_579 = vector.broadcast %jit3A_578 : f32 to vector<128x4096xf32>
      %select_n3A_580 = arith.select %eq3A_577, %broadcast_in_dim3A_579, %select_n3A_561 : vector<128x4096xi1>, vector<128x4096xf32>
      %reduce_max3A_581 = arith.constant dense<0xFF800000> : vector<128xf32>
      %reduce_max3A_582 = vector.multi_reduction <maximumf>, %select_n3A_580, %reduce_max3A_581 [1] : vector<128x4096xf32> to vector<128xf32>
      %broadcast_in_dim3A_583 = vector.shape_cast %reduce_max3A_582 : vector<128xf32> to vector<128x1xf32>
      %eq3A_584 = vector.broadcast %broadcast_in_dim3A_583 : vector<128x1xf32> to vector<128x4096xf32>
      %eq3A_585 = arith.cmpf oeq, %select_n3A_580, %eq3A_584 : vector<128x4096xf32>
      %jit3A_586 = arith.constant 1.07374182E+9 : f32
      %broadcast_in_dim3A_587 = vector.broadcast %jit3A_586 : f32 to vector<128x4096xf32>
      %select_n3A_588 = arith.select %eq3A_585, %concatenate3A, %broadcast_in_dim3A_587 : vector<128x4096xi1>, vector<128x4096xf32>
      %reduce_min3A_589 = arith.constant dense<0x7F800000> : vector<128xf32>
      %reduce_min3A_590 = vector.multi_reduction <minimumf>, %select_n3A_588, %reduce_min3A_589 [1] : vector<128x4096xf32> to vector<128xf32>
      %broadcast_in_dim3A_591 = vector.shape_cast %reduce_min3A_590 : vector<128xf32> to vector<128x1xf32>
      %max3A_592 = arith.constant 0.000000e+00 : f32
      %max3A_593 = vector.broadcast %max3A_592 : f32 to vector<128x1xf32>
      %max3A_594 = arith.maximumf %broadcast_in_dim3A_583, %max3A_593 : vector<128x1xf32>
      %eq3A_595 = vector.broadcast %broadcast_in_dim3A_591 : vector<128x1xf32> to vector<128x4096xf32>
      %eq3A_596 = arith.cmpf oeq, %concatenate3A, %eq3A_595 : vector<128x4096xf32>
      %jit3A_597 = arith.constant 0xFF800000 : f32
      %broadcast_in_dim3A_598 = vector.broadcast %jit3A_597 : f32 to vector<128x4096xf32>
      %select_n3A_599 = arith.select %eq3A_596, %broadcast_in_dim3A_598, %select_n3A_580 : vector<128x4096xi1>, vector<128x4096xf32>
      %reduce_max3A_600 = arith.constant dense<0xFF800000> : vector<128xf32>
      %reduce_max3A_601 = vector.multi_reduction <maximumf>, %select_n3A_599, %reduce_max3A_600 [1] : vector<128x4096xf32> to vector<128xf32>
      %broadcast_in_dim3A_602 = vector.shape_cast %reduce_max3A_601 : vector<128xf32> to vector<128x1xf32>
      %eq3A_603 = vector.broadcast %broadcast_in_dim3A_602 : vector<128x1xf32> to vector<128x4096xf32>
      %eq3A_604 = arith.cmpf oeq, %select_n3A_599, %eq3A_603 : vector<128x4096xf32>
      %jit3A_605 = arith.constant 1.07374182E+9 : f32
      %broadcast_in_dim3A_606 = vector.broadcast %jit3A_605 : f32 to vector<128x4096xf32>
      %select_n3A_607 = arith.select %eq3A_604, %concatenate3A, %broadcast_in_dim3A_606 : vector<128x4096xi1>, vector<128x4096xf32>
      %reduce_min3A_608 = arith.constant dense<0x7F800000> : vector<128xf32>
      %reduce_min3A_609 = vector.multi_reduction <minimumf>, %select_n3A_607, %reduce_min3A_608 [1] : vector<128x4096xf32> to vector<128xf32>
      %broadcast_in_dim3A_610 = vector.shape_cast %reduce_min3A_609 : vector<128xf32> to vector<128x1xf32>
      %max3A_611 = arith.constant 0.000000e+00 : f32
      %max3A_612 = vector.broadcast %max3A_611 : f32 to vector<128x1xf32>
      %max3A_613 = arith.maximumf %broadcast_in_dim3A_602, %max3A_612 : vector<128x1xf32>
      %eq3A_614 = vector.broadcast %broadcast_in_dim3A_610 : vector<128x1xf32> to vector<128x4096xf32>
      %eq3A_615 = arith.cmpf oeq, %concatenate3A, %eq3A_614 : vector<128x4096xf32>
      %jit3A_616 = arith.constant 0xFF800000 : f32
      %broadcast_in_dim3A_617 = vector.broadcast %jit3A_616 : f32 to vector<128x4096xf32>
      %select_n3A_618 = arith.select %eq3A_615, %broadcast_in_dim3A_617, %select_n3A_599 : vector<128x4096xi1>, vector<128x4096xf32>
      %reduce_max3A_619 = arith.constant dense<0xFF800000> : vector<128xf32>
      %reduce_max3A_620 = vector.multi_reduction <maximumf>, %select_n3A_618, %reduce_max3A_619 [1] : vector<128x4096xf32> to vector<128xf32>
      %broadcast_in_dim3A_621 = vector.shape_cast %reduce_max3A_620 : vector<128xf32> to vector<128x1xf32>
      %eq3A_622 = vector.broadcast %broadcast_in_dim3A_621 : vector<128x1xf32> to vector<128x4096xf32>
      %eq3A_623 = arith.cmpf oeq, %select_n3A_618, %eq3A_622 : vector<128x4096xf32>
      %jit3A_624 = arith.constant 1.07374182E+9 : f32
      %broadcast_in_dim3A_625 = vector.broadcast %jit3A_624 : f32 to vector<128x4096xf32>
      %select_n3A_626 = arith.select %eq3A_623, %concatenate3A, %broadcast_in_dim3A_625 : vector<128x4096xi1>, vector<128x4096xf32>
      %reduce_min3A_627 = arith.constant dense<0x7F800000> : vector<128xf32>
      %reduce_min3A_628 = vector.multi_reduction <minimumf>, %select_n3A_626, %reduce_min3A_627 [1] : vector<128x4096xf32> to vector<128xf32>
      %broadcast_in_dim3A_629 = vector.shape_cast %reduce_min3A_628 : vector<128xf32> to vector<128x1xf32>
      %max3A_630 = arith.constant 0.000000e+00 : f32
      %max3A_631 = vector.broadcast %max3A_630 : f32 to vector<128x1xf32>
      %max3A_632 = arith.maximumf %broadcast_in_dim3A_621, %max3A_631 : vector<128x1xf32>
      %eq3A_633 = vector.broadcast %broadcast_in_dim3A_629 : vector<128x1xf32> to vector<128x4096xf32>
      %eq3A_634 = arith.cmpf oeq, %concatenate3A, %eq3A_633 : vector<128x4096xf32>
      %jit3A_635 = arith.constant 0xFF800000 : f32
      %broadcast_in_dim3A_636 = vector.broadcast %jit3A_635 : f32 to vector<128x4096xf32>
      %select_n3A_637 = arith.select %eq3A_634, %broadcast_in_dim3A_636, %select_n3A_618 : vector<128x4096xi1>, vector<128x4096xf32>
      %reduce_max3A_638 = arith.constant dense<0xFF800000> : vector<128xf32>
      %reduce_max3A_639 = vector.multi_reduction <maximumf>, %select_n3A_637, %reduce_max3A_638 [1] : vector<128x4096xf32> to vector<128xf32>
      %broadcast_in_dim3A_640 = vector.shape_cast %reduce_max3A_639 : vector<128xf32> to vector<128x1xf32>
      %eq3A_641 = vector.broadcast %broadcast_in_dim3A_640 : vector<128x1xf32> to vector<128x4096xf32>
      %eq3A_642 = arith.cmpf oeq, %select_n3A_637, %eq3A_641 : vector<128x4096xf32>
      %jit3A_643 = arith.constant 1.07374182E+9 : f32
      %broadcast_in_dim3A_644 = vector.broadcast %jit3A_643 : f32 to vector<128x4096xf32>
      %select_n3A_645 = arith.select %eq3A_642, %concatenate3A, %broadcast_in_dim3A_644 : vector<128x4096xi1>, vector<128x4096xf32>
      %reduce_min3A_646 = arith.constant dense<0x7F800000> : vector<128xf32>
      %reduce_min3A_647 = vector.multi_reduction <minimumf>, %select_n3A_645, %reduce_min3A_646 [1] : vector<128x4096xf32> to vector<128xf32>
      %broadcast_in_dim3A_648 = vector.shape_cast %reduce_min3A_647 : vector<128xf32> to vector<128x1xf32>
      %max3A_649 = arith.constant 0.000000e+00 : f32
      %max3A_650 = vector.broadcast %max3A_649 : f32 to vector<128x1xf32>
      %max3A_651 = arith.maximumf %broadcast_in_dim3A_640, %max3A_650 : vector<128x1xf32>
      %eq3A_652 = vector.broadcast %broadcast_in_dim3A_648 : vector<128x1xf32> to vector<128x4096xf32>
      %eq3A_653 = arith.cmpf oeq, %concatenate3A, %eq3A_652 : vector<128x4096xf32>
      %jit3A_654 = arith.constant 0xFF800000 : f32
      %broadcast_in_dim3A_655 = vector.broadcast %jit3A_654 : f32 to vector<128x4096xf32>
      %select_n3A_656 = arith.select %eq3A_653, %broadcast_in_dim3A_655, %select_n3A_637 : vector<128x4096xi1>, vector<128x4096xf32>
      %reduce_max3A_657 = arith.constant dense<0xFF800000> : vector<128xf32>
      %reduce_max3A_658 = vector.multi_reduction <maximumf>, %select_n3A_656, %reduce_max3A_657 [1] : vector<128x4096xf32> to vector<128xf32>
      %broadcast_in_dim3A_659 = vector.shape_cast %reduce_max3A_658 : vector<128xf32> to vector<128x1xf32>
      %eq3A_660 = vector.broadcast %broadcast_in_dim3A_659 : vector<128x1xf32> to vector<128x4096xf32>
      %eq3A_661 = arith.cmpf oeq, %select_n3A_656, %eq3A_660 : vector<128x4096xf32>
      %jit3A_662 = arith.constant 1.07374182E+9 : f32
      %broadcast_in_dim3A_663 = vector.broadcast %jit3A_662 : f32 to vector<128x4096xf32>
      %select_n3A_664 = arith.select %eq3A_661, %concatenate3A, %broadcast_in_dim3A_663 : vector<128x4096xi1>, vector<128x4096xf32>
      %reduce_min3A_665 = arith.constant dense<0x7F800000> : vector<128xf32>
      %reduce_min3A_666 = vector.multi_reduction <minimumf>, %select_n3A_664, %reduce_min3A_665 [1] : vector<128x4096xf32> to vector<128xf32>
      %broadcast_in_dim3A_667 = vector.shape_cast %reduce_min3A_666 : vector<128xf32> to vector<128x1xf32>
      %max3A_668 = arith.constant 0.000000e+00 : f32
      %max3A_669 = vector.broadcast %max3A_668 : f32 to vector<128x1xf32>
      %max3A_670 = arith.maximumf %broadcast_in_dim3A_659, %max3A_669 : vector<128x1xf32>
      %eq3A_671 = vector.broadcast %broadcast_in_dim3A_667 : vector<128x1xf32> to vector<128x4096xf32>
      %eq3A_672 = arith.cmpf oeq, %concatenate3A, %eq3A_671 : vector<128x4096xf32>
      %jit3A_673 = arith.constant 0xFF800000 : f32
      %broadcast_in_dim3A_674 = vector.broadcast %jit3A_673 : f32 to vector<128x4096xf32>
      %select_n3A_675 = arith.select %eq3A_672, %broadcast_in_dim3A_674, %select_n3A_656 : vector<128x4096xi1>, vector<128x4096xf32>
      %reduce_max3A_676 = arith.constant dense<0xFF800000> : vector<128xf32>
      %reduce_max3A_677 = vector.multi_reduction <maximumf>, %select_n3A_675, %reduce_max3A_676 [1] : vector<128x4096xf32> to vector<128xf32>
      %broadcast_in_dim3A_678 = vector.shape_cast %reduce_max3A_677 : vector<128xf32> to vector<128x1xf32>
      %eq3A_679 = vector.broadcast %broadcast_in_dim3A_678 : vector<128x1xf32> to vector<128x4096xf32>
      %eq3A_680 = arith.cmpf oeq, %select_n3A_675, %eq3A_679 : vector<128x4096xf32>
      %jit3A_681 = arith.constant 1.07374182E+9 : f32
      %broadcast_in_dim3A_682 = vector.broadcast %jit3A_681 : f32 to vector<128x4096xf32>
      %select_n3A_683 = arith.select %eq3A_680, %concatenate3A, %broadcast_in_dim3A_682 : vector<128x4096xi1>, vector<128x4096xf32>
      %reduce_min3A_684 = arith.constant dense<0x7F800000> : vector<128xf32>
      %reduce_min3A_685 = vector.multi_reduction <minimumf>, %select_n3A_683, %reduce_min3A_684 [1] : vector<128x4096xf32> to vector<128xf32>
      %broadcast_in_dim3A_686 = vector.shape_cast %reduce_min3A_685 : vector<128xf32> to vector<128x1xf32>
      %max3A_687 = arith.constant 0.000000e+00 : f32
      %max3A_688 = vector.broadcast %max3A_687 : f32 to vector<128x1xf32>
      %max3A_689 = arith.maximumf %broadcast_in_dim3A_678, %max3A_688 : vector<128x1xf32>
      %eq3A_690 = vector.broadcast %broadcast_in_dim3A_686 : vector<128x1xf32> to vector<128x4096xf32>
      %eq3A_691 = arith.cmpf oeq, %concatenate3A, %eq3A_690 : vector<128x4096xf32>
      %jit3A_692 = arith.constant 0xFF800000 : f32
      %broadcast_in_dim3A_693 = vector.broadcast %jit3A_692 : f32 to vector<128x4096xf32>
      %select_n3A_694 = arith.select %eq3A_691, %broadcast_in_dim3A_693, %select_n3A_675 : vector<128x4096xi1>, vector<128x4096xf32>
      %reduce_max3A_695 = arith.constant dense<0xFF800000> : vector<128xf32>
      %reduce_max3A_696 = vector.multi_reduction <maximumf>, %select_n3A_694, %reduce_max3A_695 [1] : vector<128x4096xf32> to vector<128xf32>
      %broadcast_in_dim3A_697 = vector.shape_cast %reduce_max3A_696 : vector<128xf32> to vector<128x1xf32>
      %eq3A_698 = vector.broadcast %broadcast_in_dim3A_697 : vector<128x1xf32> to vector<128x4096xf32>
      %eq3A_699 = arith.cmpf oeq, %select_n3A_694, %eq3A_698 : vector<128x4096xf32>
      %jit3A_700 = arith.constant 1.07374182E+9 : f32
      %broadcast_in_dim3A_701 = vector.broadcast %jit3A_700 : f32 to vector<128x4096xf32>
      %select_n3A_702 = arith.select %eq3A_699, %concatenate3A, %broadcast_in_dim3A_701 : vector<128x4096xi1>, vector<128x4096xf32>
      %reduce_min3A_703 = arith.constant dense<0x7F800000> : vector<128xf32>
      %reduce_min3A_704 = vector.multi_reduction <minimumf>, %select_n3A_702, %reduce_min3A_703 [1] : vector<128x4096xf32> to vector<128xf32>
      %broadcast_in_dim3A_705 = vector.shape_cast %reduce_min3A_704 : vector<128xf32> to vector<128x1xf32>
      %max3A_706 = arith.constant 0.000000e+00 : f32
      %max3A_707 = vector.broadcast %max3A_706 : f32 to vector<128x1xf32>
      %max3A_708 = arith.maximumf %broadcast_in_dim3A_697, %max3A_707 : vector<128x1xf32>
      %eq3A_709 = vector.broadcast %broadcast_in_dim3A_705 : vector<128x1xf32> to vector<128x4096xf32>
      %eq3A_710 = arith.cmpf oeq, %concatenate3A, %eq3A_709 : vector<128x4096xf32>
      %jit3A_711 = arith.constant 0xFF800000 : f32
      %broadcast_in_dim3A_712 = vector.broadcast %jit3A_711 : f32 to vector<128x4096xf32>
      %select_n3A_713 = arith.select %eq3A_710, %broadcast_in_dim3A_712, %select_n3A_694 : vector<128x4096xi1>, vector<128x4096xf32>
      %reduce_max3A_714 = arith.constant dense<0xFF800000> : vector<128xf32>
      %reduce_max3A_715 = vector.multi_reduction <maximumf>, %select_n3A_713, %reduce_max3A_714 [1] : vector<128x4096xf32> to vector<128xf32>
      %broadcast_in_dim3A_716 = vector.shape_cast %reduce_max3A_715 : vector<128xf32> to vector<128x1xf32>
      %eq3A_717 = vector.broadcast %broadcast_in_dim3A_716 : vector<128x1xf32> to vector<128x4096xf32>
      %eq3A_718 = arith.cmpf oeq, %select_n3A_713, %eq3A_717 : vector<128x4096xf32>
      %jit3A_719 = arith.constant 1.07374182E+9 : f32
      %broadcast_in_dim3A_720 = vector.broadcast %jit3A_719 : f32 to vector<128x4096xf32>
      %select_n3A_721 = arith.select %eq3A_718, %concatenate3A, %broadcast_in_dim3A_720 : vector<128x4096xi1>, vector<128x4096xf32>
      %reduce_min3A_722 = arith.constant dense<0x7F800000> : vector<128xf32>
      %reduce_min3A_723 = vector.multi_reduction <minimumf>, %select_n3A_721, %reduce_min3A_722 [1] : vector<128x4096xf32> to vector<128xf32>
      %broadcast_in_dim3A_724 = vector.shape_cast %reduce_min3A_723 : vector<128xf32> to vector<128x1xf32>
      %max3A_725 = arith.constant 0.000000e+00 : f32
      %max3A_726 = vector.broadcast %max3A_725 : f32 to vector<128x1xf32>
      %max3A_727 = arith.maximumf %broadcast_in_dim3A_716, %max3A_726 : vector<128x1xf32>
      %eq3A_728 = vector.broadcast %broadcast_in_dim3A_724 : vector<128x1xf32> to vector<128x4096xf32>
      %eq3A_729 = arith.cmpf oeq, %concatenate3A, %eq3A_728 : vector<128x4096xf32>
      %jit3A_730 = arith.constant 0xFF800000 : f32
      %broadcast_in_dim3A_731 = vector.broadcast %jit3A_730 : f32 to vector<128x4096xf32>
      %select_n3A_732 = arith.select %eq3A_729, %broadcast_in_dim3A_731, %select_n3A_713 : vector<128x4096xi1>, vector<128x4096xf32>
      %reduce_max3A_733 = arith.constant dense<0xFF800000> : vector<128xf32>
      %reduce_max3A_734 = vector.multi_reduction <maximumf>, %select_n3A_732, %reduce_max3A_733 [1] : vector<128x4096xf32> to vector<128xf32>
      %broadcast_in_dim3A_735 = vector.shape_cast %reduce_max3A_734 : vector<128xf32> to vector<128x1xf32>
      %eq3A_736 = vector.broadcast %broadcast_in_dim3A_735 : vector<128x1xf32> to vector<128x4096xf32>
      %eq3A_737 = arith.cmpf oeq, %select_n3A_732, %eq3A_736 : vector<128x4096xf32>
      %jit3A_738 = arith.constant 1.07374182E+9 : f32
      %broadcast_in_dim3A_739 = vector.broadcast %jit3A_738 : f32 to vector<128x4096xf32>
      %select_n3A_740 = arith.select %eq3A_737, %concatenate3A, %broadcast_in_dim3A_739 : vector<128x4096xi1>, vector<128x4096xf32>
      %reduce_min3A_741 = arith.constant dense<0x7F800000> : vector<128xf32>
      %reduce_min3A_742 = vector.multi_reduction <minimumf>, %select_n3A_740, %reduce_min3A_741 [1] : vector<128x4096xf32> to vector<128xf32>
      %broadcast_in_dim3A_743 = vector.shape_cast %reduce_min3A_742 : vector<128xf32> to vector<128x1xf32>
      %max3A_744 = arith.constant 0.000000e+00 : f32
      %max3A_745 = vector.broadcast %max3A_744 : f32 to vector<128x1xf32>
      %max3A_746 = arith.maximumf %broadcast_in_dim3A_735, %max3A_745 : vector<128x1xf32>
      %eq3A_747 = vector.broadcast %broadcast_in_dim3A_743 : vector<128x1xf32> to vector<128x4096xf32>
      %eq3A_748 = arith.cmpf oeq, %concatenate3A, %eq3A_747 : vector<128x4096xf32>
      %jit3A_749 = arith.constant 0xFF800000 : f32
      %broadcast_in_dim3A_750 = vector.broadcast %jit3A_749 : f32 to vector<128x4096xf32>
      %select_n3A_751 = arith.select %eq3A_748, %broadcast_in_dim3A_750, %select_n3A_732 : vector<128x4096xi1>, vector<128x4096xf32>
      %reduce_max3A_752 = arith.constant dense<0xFF800000> : vector<128xf32>
      %reduce_max3A_753 = vector.multi_reduction <maximumf>, %select_n3A_751, %reduce_max3A_752 [1] : vector<128x4096xf32> to vector<128xf32>
      %broadcast_in_dim3A_754 = vector.shape_cast %reduce_max3A_753 : vector<128xf32> to vector<128x1xf32>
      %eq3A_755 = vector.broadcast %broadcast_in_dim3A_754 : vector<128x1xf32> to vector<128x4096xf32>
      %eq3A_756 = arith.cmpf oeq, %select_n3A_751, %eq3A_755 : vector<128x4096xf32>
      %jit3A_757 = arith.constant 1.07374182E+9 : f32
      %broadcast_in_dim3A_758 = vector.broadcast %jit3A_757 : f32 to vector<128x4096xf32>
      %select_n3A_759 = arith.select %eq3A_756, %concatenate3A, %broadcast_in_dim3A_758 : vector<128x4096xi1>, vector<128x4096xf32>
      %reduce_min3A_760 = arith.constant dense<0x7F800000> : vector<128xf32>
      %reduce_min3A_761 = vector.multi_reduction <minimumf>, %select_n3A_759, %reduce_min3A_760 [1] : vector<128x4096xf32> to vector<128xf32>
      %broadcast_in_dim3A_762 = vector.shape_cast %reduce_min3A_761 : vector<128xf32> to vector<128x1xf32>
      %max3A_763 = arith.constant 0.000000e+00 : f32
      %max3A_764 = vector.broadcast %max3A_763 : f32 to vector<128x1xf32>
      %max3A_765 = arith.maximumf %broadcast_in_dim3A_754, %max3A_764 : vector<128x1xf32>
      %eq3A_766 = vector.broadcast %broadcast_in_dim3A_762 : vector<128x1xf32> to vector<128x4096xf32>
      %eq3A_767 = arith.cmpf oeq, %concatenate3A, %eq3A_766 : vector<128x4096xf32>
      %jit3A_768 = arith.constant 0xFF800000 : f32
      %broadcast_in_dim3A_769 = vector.broadcast %jit3A_768 : f32 to vector<128x4096xf32>
      %select_n3A_770 = arith.select %eq3A_767, %broadcast_in_dim3A_769, %select_n3A_751 : vector<128x4096xi1>, vector<128x4096xf32>
      %reduce_max3A_771 = arith.constant dense<0xFF800000> : vector<128xf32>
      %reduce_max3A_772 = vector.multi_reduction <maximumf>, %select_n3A_770, %reduce_max3A_771 [1] : vector<128x4096xf32> to vector<128xf32>
      %broadcast_in_dim3A_773 = vector.shape_cast %reduce_max3A_772 : vector<128xf32> to vector<128x1xf32>
      %eq3A_774 = vector.broadcast %broadcast_in_dim3A_773 : vector<128x1xf32> to vector<128x4096xf32>
      %eq3A_775 = arith.cmpf oeq, %select_n3A_770, %eq3A_774 : vector<128x4096xf32>
      %jit3A_776 = arith.constant 1.07374182E+9 : f32
      %broadcast_in_dim3A_777 = vector.broadcast %jit3A_776 : f32 to vector<128x4096xf32>
      %select_n3A_778 = arith.select %eq3A_775, %concatenate3A, %broadcast_in_dim3A_777 : vector<128x4096xi1>, vector<128x4096xf32>
      %reduce_min3A_779 = arith.constant dense<0x7F800000> : vector<128xf32>
      %reduce_min3A_780 = vector.multi_reduction <minimumf>, %select_n3A_778, %reduce_min3A_779 [1] : vector<128x4096xf32> to vector<128xf32>
      %broadcast_in_dim3A_781 = vector.shape_cast %reduce_min3A_780 : vector<128xf32> to vector<128x1xf32>
      %max3A_782 = arith.constant 0.000000e+00 : f32
      %max3A_783 = vector.broadcast %max3A_782 : f32 to vector<128x1xf32>
      %max3A_784 = arith.maximumf %broadcast_in_dim3A_773, %max3A_783 : vector<128x1xf32>
      %eq3A_785 = vector.broadcast %broadcast_in_dim3A_781 : vector<128x1xf32> to vector<128x4096xf32>
      %eq3A_786 = arith.cmpf oeq, %concatenate3A, %eq3A_785 : vector<128x4096xf32>
      %jit3A_787 = arith.constant 0xFF800000 : f32
      %broadcast_in_dim3A_788 = vector.broadcast %jit3A_787 : f32 to vector<128x4096xf32>
      %select_n3A_789 = arith.select %eq3A_786, %broadcast_in_dim3A_788, %select_n3A_770 : vector<128x4096xi1>, vector<128x4096xf32>
      %reduce_max3A_790 = arith.constant dense<0xFF800000> : vector<128xf32>
      %reduce_max3A_791 = vector.multi_reduction <maximumf>, %select_n3A_789, %reduce_max3A_790 [1] : vector<128x4096xf32> to vector<128xf32>
      %broadcast_in_dim3A_792 = vector.shape_cast %reduce_max3A_791 : vector<128xf32> to vector<128x1xf32>
      %eq3A_793 = vector.broadcast %broadcast_in_dim3A_792 : vector<128x1xf32> to vector<128x4096xf32>
      %eq3A_794 = arith.cmpf oeq, %select_n3A_789, %eq3A_793 : vector<128x4096xf32>
      %jit3A_795 = arith.constant 1.07374182E+9 : f32
      %broadcast_in_dim3A_796 = vector.broadcast %jit3A_795 : f32 to vector<128x4096xf32>
      %select_n3A_797 = arith.select %eq3A_794, %concatenate3A, %broadcast_in_dim3A_796 : vector<128x4096xi1>, vector<128x4096xf32>
      %reduce_min3A_798 = arith.constant dense<0x7F800000> : vector<128xf32>
      %reduce_min3A_799 = vector.multi_reduction <minimumf>, %select_n3A_797, %reduce_min3A_798 [1] : vector<128x4096xf32> to vector<128xf32>
      %broadcast_in_dim3A_800 = vector.shape_cast %reduce_min3A_799 : vector<128xf32> to vector<128x1xf32>
      %max3A_801 = arith.constant 0.000000e+00 : f32
      %max3A_802 = vector.broadcast %max3A_801 : f32 to vector<128x1xf32>
      %max3A_803 = arith.maximumf %broadcast_in_dim3A_792, %max3A_802 : vector<128x1xf32>
      %eq3A_804 = vector.broadcast %broadcast_in_dim3A_800 : vector<128x1xf32> to vector<128x4096xf32>
      %eq3A_805 = arith.cmpf oeq, %concatenate3A, %eq3A_804 : vector<128x4096xf32>
      %jit3A_806 = arith.constant 0xFF800000 : f32
      %broadcast_in_dim3A_807 = vector.broadcast %jit3A_806 : f32 to vector<128x4096xf32>
      %select_n3A_808 = arith.select %eq3A_805, %broadcast_in_dim3A_807, %select_n3A_789 : vector<128x4096xi1>, vector<128x4096xf32>
      %reduce_max3A_809 = arith.constant dense<0xFF800000> : vector<128xf32>
      %reduce_max3A_810 = vector.multi_reduction <maximumf>, %select_n3A_808, %reduce_max3A_809 [1] : vector<128x4096xf32> to vector<128xf32>
      %broadcast_in_dim3A_811 = vector.shape_cast %reduce_max3A_810 : vector<128xf32> to vector<128x1xf32>
      %eq3A_812 = vector.broadcast %broadcast_in_dim3A_811 : vector<128x1xf32> to vector<128x4096xf32>
      %eq3A_813 = arith.cmpf oeq, %select_n3A_808, %eq3A_812 : vector<128x4096xf32>
      %jit3A_814 = arith.constant 1.07374182E+9 : f32
      %broadcast_in_dim3A_815 = vector.broadcast %jit3A_814 : f32 to vector<128x4096xf32>
      %select_n3A_816 = arith.select %eq3A_813, %concatenate3A, %broadcast_in_dim3A_815 : vector<128x4096xi1>, vector<128x4096xf32>
      %reduce_min3A_817 = arith.constant dense<0x7F800000> : vector<128xf32>
      %reduce_min3A_818 = vector.multi_reduction <minimumf>, %select_n3A_816, %reduce_min3A_817 [1] : vector<128x4096xf32> to vector<128xf32>
      %broadcast_in_dim3A_819 = vector.shape_cast %reduce_min3A_818 : vector<128xf32> to vector<128x1xf32>
      %max3A_820 = arith.constant 0.000000e+00 : f32
      %max3A_821 = vector.broadcast %max3A_820 : f32 to vector<128x1xf32>
      %max3A_822 = arith.maximumf %broadcast_in_dim3A_811, %max3A_821 : vector<128x1xf32>
      %eq3A_823 = vector.broadcast %broadcast_in_dim3A_819 : vector<128x1xf32> to vector<128x4096xf32>
      %eq3A_824 = arith.cmpf oeq, %concatenate3A, %eq3A_823 : vector<128x4096xf32>
      %jit3A_825 = arith.constant 0xFF800000 : f32
      %broadcast_in_dim3A_826 = vector.broadcast %jit3A_825 : f32 to vector<128x4096xf32>
      %select_n3A_827 = arith.select %eq3A_824, %broadcast_in_dim3A_826, %select_n3A_808 : vector<128x4096xi1>, vector<128x4096xf32>
      %reduce_max3A_828 = arith.constant dense<0xFF800000> : vector<128xf32>
      %reduce_max3A_829 = vector.multi_reduction <maximumf>, %select_n3A_827, %reduce_max3A_828 [1] : vector<128x4096xf32> to vector<128xf32>
      %broadcast_in_dim3A_830 = vector.shape_cast %reduce_max3A_829 : vector<128xf32> to vector<128x1xf32>
      %eq3A_831 = vector.broadcast %broadcast_in_dim3A_830 : vector<128x1xf32> to vector<128x4096xf32>
      %eq3A_832 = arith.cmpf oeq, %select_n3A_827, %eq3A_831 : vector<128x4096xf32>
      %jit3A_833 = arith.constant 1.07374182E+9 : f32
      %broadcast_in_dim3A_834 = vector.broadcast %jit3A_833 : f32 to vector<128x4096xf32>
      %select_n3A_835 = arith.select %eq3A_832, %concatenate3A, %broadcast_in_dim3A_834 : vector<128x4096xi1>, vector<128x4096xf32>
      %reduce_min3A_836 = arith.constant dense<0x7F800000> : vector<128xf32>
      %reduce_min3A_837 = vector.multi_reduction <minimumf>, %select_n3A_835, %reduce_min3A_836 [1] : vector<128x4096xf32> to vector<128xf32>
      %broadcast_in_dim3A_838 = vector.shape_cast %reduce_min3A_837 : vector<128xf32> to vector<128x1xf32>
      %max3A_839 = arith.constant 0.000000e+00 : f32
      %max3A_840 = vector.broadcast %max3A_839 : f32 to vector<128x1xf32>
      %max3A_841 = arith.maximumf %broadcast_in_dim3A_830, %max3A_840 : vector<128x1xf32>
      %concatenate3A_842 = tpu.concatenate %max3A_252, %max3A_271, %max3A_290, %max3A_309, %max3A_328, %max3A_347, %max3A_366, %max3A_385, %max3A_404, %max3A_423, %max3A_442, %max3A_461, %max3A_480, %max3A_499, %max3A_518, %max3A_537, %max3A_556, %max3A_575, %max3A_594, %max3A_613, %max3A_632, %max3A_651, %max3A_670, %max3A_689, %max3A_708, %max3A_727, %max3A_746, %max3A_765, %max3A_784, %max3A_803, %max3A_822, %max3A_841 in 1 : vector<128x1xf32>, vector<128x1xf32>, vector<128x1xf32>, vector<128x1xf32>, vector<128x1xf32>, vector<128x1xf32>, vector<128x1xf32>, vector<128x1xf32>, vector<128x1xf32>, vector<128x1xf32>, vector<128x1xf32>, vector<128x1xf32>, vector<128x1xf32>, vector<128x1xf32>, vector<128x1xf32>, vector<128x1xf32>, vector<128x1xf32>, vector<128x1xf32>, vector<128x1xf32>, vector<128x1xf32>, vector<128x1xf32>, vector<128x1xf32>, vector<128x1xf32>, vector<128x1xf32>, vector<128x1xf32>, vector<128x1xf32>, vector<128x1xf32>, vector<128x1xf32>, vector<128x1xf32>, vector<128x1xf32>, vector<128x1xf32>, vector<128x1xf32> -> vector<128x32xf32>
      %swap3A_843 = arith.constant 0 : index
      %swap3A_844 = arith.constant 0 : index
      %swap3A_845 = vector.load %arg4[%swap3A_843, %swap3A_844] : memref<128x32xf32, #tpu.memory_space<vmem>>, vector<128x32xf32>
      tpu.vector_store %arg4[%swap3A_843, %swap3A_844], %concatenate3A_842 {strides = array<i32>} : memref<128x32xf32, #tpu.memory_space<vmem>>, vector<128x32xf32>,
      %concatenate3A_846 = tpu.concatenate %broadcast_in_dim3A_249, %broadcast_in_dim3A_268, %broadcast_in_dim3A_287, %broadcast_in_dim3A_306, %broadcast_in_dim3A_325, %broadcast_in_dim3A_344, %broadcast_in_dim3A_363, %broadcast_in_dim3A_382, %broadcast_in_dim3A_401, %broadcast_in_dim3A_420, %broadcast_in_dim3A_439, %broadcast_in_dim3A_458, %broadcast_in_dim3A_477, %broadcast_in_dim3A_496, %broadcast_in_dim3A_515, %broadcast_in_dim3A_534, %broadcast_in_dim3A_553, %broadcast_in_dim3A_572, %broadcast_in_dim3A_591, %broadcast_in_dim3A_610, %broadcast_in_dim3A_629, %broadcast_in_dim3A_648, %broadcast_in_dim3A_667, %broadcast_in_dim3A_686, %broadcast_in_dim3A_705, %broadcast_in_dim3A_724, %broadcast_in_dim3A_743, %broadcast_in_dim3A_762, %broadcast_in_dim3A_781, %broadcast_in_dim3A_800, %broadcast_in_dim3A_819, %broadcast_in_dim3A_838 in 1 : vector<128x1xf32>, vector<128x1xf32>, vector<128x1xf32>, vector<128x1xf32>, vector<128x1xf32>, vector<128x1xf32>, vector<128x1xf32>, vector<128x1xf32>, vector<128x1xf32>, vector<128x1xf32>, vector<128x1xf32>, vector<128x1xf32>, vector<128x1xf32>, vector<128x1xf32>, vector<128x1xf32>, vector<128x1xf32>, vector<128x1xf32>, vector<128x1xf32>, vector<128x1xf32>, vector<128x1xf32>, vector<128x1xf32>, vector<128x1xf32>, vector<128x1xf32>, vector<128x1xf32>, vector<128x1xf32>, vector<128x1xf32>, vector<128x1xf32>, vector<128x1xf32>, vector<128x1xf32>, vector<128x1xf32>, vector<128x1xf32>, vector<128x1xf32> -> vector<128x32xf32>
      %convert_element_type3A_847 = arith.fptosi %concatenate3A_846 : vector<128x32xf32> to vector<128x32xi32>
      %swap3A_848 = arith.constant 0 : index
      %swap3A_849 = arith.constant 0 : index
      %swap3A_850 = vector.load %arg5[%swap3A_848, %swap3A_849] : memref<128x32xi32, #tpu.memory_space<vmem>>, vector<128x32xi32>
      tpu.vector_store %arg5[%swap3A_848, %swap3A_849], %convert_element_type3A_847 {strides = array<i32>} : memref<128x32xi32, #tpu.memory_space<vmem>>, vector<128x32xi32>,
      %swap3A_851 = arith.constant 0 : index
      %swap3A_852 = arith.constant 0 : index
      %swap3A_853 = vector.load %arg7[%swap3A_851, %swap3A_852] : memref<128x1xf32, #tpu.memory_space<vmem>>, vector<128x1xf32>
      tpu.vector_store %arg7[%swap3A_851, %swap3A_852], %broadcast_in_dim3A_830 {strides = array<i32>} : memref<128x1xf32, #tpu.memory_space<vmem>>, vector<128x1xf32>,
    } else {
    }
    %get3A = arith.constant 0 : index
    %get3A_2 = arith.constant 0 : index
    %get3A_3 = vector.load %arg3[%get3A, %get3A_2] : memref<128x4096xf32, #tpu.memory_space<vmem>>, vector<128x4096xf32>
    %get3A_4 = arith.constant 0 : index
    %get3A_5 = arith.constant 0 : index
    %get3A_6 = vector.load %arg7[%get3A_4, %get3A_5] : memref<128x1xf32, #tpu.memory_space<vmem>>, vector<128x1xf32>
    %ge3A = vector.broadcast %get3A_6 : vector<128x1xf32> to vector<128x4096xf32>
    %ge3A_7 = arith.cmpf oge, %get3A_3, %ge3A : vector<128x4096xf32>
    %max3A = arith.constant 0.000000e+00 : f32
    %max3A_8 = vector.broadcast %max3A : f32 to vector<128x4096xf32>
    %max3A_9 = arith.maximumf %get3A_3, %max3A_8 : vector<128x4096xf32>
    %jit3A = arith.constant 0.000000e+00 : f32
    %broadcast_in_dim3A = vector.broadcast %jit3A : f32 to vector<128x4096xf32>
    %select_n3A = arith.select %ge3A_7, %max3A_9, %broadcast_in_dim3A : vector<128x4096xi1>, vector<128x4096xf32>
    %swap3A = arith.constant 0 : index
    %swap3A_10 = arith.constant 0 : index
    %swap3A_11 = vector.load %arg6[%swap3A, %swap3A_10] : memref<128x4096xf32, #tpu.memory_space<vmem>>, vector<128x4096xf32>
    tpu.vector_store %arg6[%swap3A, %swap3A_10], %select_n3A {strides = array<i32>} : memref<128x4096xf32, #tpu.memory_space<vmem>>, vector<128x4096xf32>,
    return
  }
  func.func @transform_0(%arg0: i32) -> (i32, i32) {
    %c0_i32 = arith.constant 0 : i32
    %c0_i32_0 = arith.constant 0 : i32
    %c0_i32_1 = arith.constant 0 : i32
    return %c0_i32, %c0_i32_0 : i32, i32
  }
  func.func @transform_1(%arg0: i32) -> (i32, i32) {
    %c0_i32 = arith.constant 0 : i32
    %c0_i32_0 = arith.constant 0 : i32
    %c0_i32_1 = arith.constant 0 : i32
    return %c0_i32, %c0_i32_0 : i32, i32
  }
  func.func @transform_2(%arg0: i32) -> (i32, i32) {
    %c0_i32 = arith.constant 0 : i32
    %c0_i32_0 = arith.constant 0 : i32
    return %c0_i32, %arg0 : i32, i32
  }
  func.func @transform_3(%arg0: i32) -> (i32, i32) {
    %c0_i32 = arith.constant 0 : i32
    %c0_i32_0 = arith.constant 0 : i32
    %c0_i32_1 = arith.constant 0 : i32
    return %c0_i32, %c0_i32_0 : i32, i32
  }
  func.func @transform_4(%arg0: i32) -> (i32, i32) {
    %c0_i32 = arith.constant 0 : i32
    %c0_i32_0 = arith.constant 0 : i32
    %c0_i32_1 = arith.constant 0 : i32
    return %c0_i32, %c0_i32_0 : i32, i32
  }
  func.func @transform_5(%arg0: i32) -> (i32, i32) {
    %c0_i32 = arith.constant 0 : i32
    %c0_i32_0 = arith.constant 0 : i32
    return %c0_i32, %arg0 : i32, i32
  }
}

</mosaic_0001>

<sc_bundles>
// kernel: kernel.6.cloned.1.call-start
scs
__scs_entry_jumppad:
0x0: {  	(pc) =	sbr.rel $0x88, $3  }
0x1: {  	(tag) =	ssettag $0x0;
	lr =	simm.s32 $0x1  }
0x2: {  	[smem:$0x3F9D] =	sst lr;
	_ =	strace $0xD0000000  }
0x3: {  	_ = 	snop  }
0x4: {  	_ = 	snop  }
0x5: {  	_ = 	snop  }
0x6: {  	_ = 	snop  }
0x7: {  	_ = 	snop  }
__scs_overlays_trampoline_lowered:
0x8: {  	[smem:$0x3FAC] =	sst s0  }
0x9: {  	[smem:$0x3FAD] =	sst s1  }
0xa: {  	[smem:$0x3FAE] =	sst s2  }
0xb: {  	[smem:$0x3FAF] =	sst s3  }
0xc: {  	[smem:$0x3FB0] =	sst s4  }
0xd: {  	[smem:$0x3FB1] =	sst s5  }
0xe: {  	[smem:$0x3FB2] =	sst s6  }
0xf: {  	[smem:$0x3FB3] =	sst s7  }
0x10: {  	[smem:$0x3FB4] =	sst s8  }
0x11: {  	[smem:$0x3FB5] =	sst s9;
	s0 =	simm.s32 @!p0 $0x0  }
0x12: {  	s1 =	sld [smem:$0x3F9B];
	s0 =	simm.s32 @p0 $0x1  }
0x13: {  	[smem:$0x3FB6] =	sst s0;
	s0 =	simm.s32 @!p1 $0x0  }
0x14: {  	s2 =	sld [smem:$0x3F9A];
	s0 =	simm.s32 @p1 $0x1  }
0x15: {  	[smem:$0x3FB7] =	sst s0;
	s0 =	simm.s32 @!p2 $0x0  }
0x16: {  	s3 =	sld [smem:$0x3FDB];
	s0 =	simm.s32 @p2 $0x1  }
0x17: {  	s4 =	simm.s32 $0x1BF5;
	[smem:$0x3FB9] =	sst s0  }
0x18: {  	s0 =	sld [smem:$0x3F9C];
	_ =	swait.ge [sflag:s4], $0x0  }
0x19: {  	s7 =	sld [smem:$0x3F9D]  }
0x1a: {  	s8 =	sadd.s32 $0xFFFFE003, lr  }
0x1b: {  	s9 =	sadd.s32 $0xFFFFFEF7, lr;
	s5 =	simm.s32 $0xFFFFFFFF;
	p2 =	slt.u32 s8, $0xFFFFF086  }
0x1c: {  	p1 =	slt.u32 s9, $0xF7A;
	s5 =	simm.s32 @!p2 $0x0  }
0x1d: {  	s5 =	simm.s32 @p1 $0x1;
	p0 =	seq.s32 s7, s2  }
0x1e: {  	s7 =	smul.u32 @!p0 $0xF7A, s2;
	p2 =	seq.s32 @!p0 s5, $0x0  }
0x1f: {  	s9 =	smul.u32 $0xF7A, s1;
	s8 =	simm.s32 @!p0 $0x1BF5;
	p2 =	por !p2, p0  }
0x20: {  	[sflag:s8] =	ssyncset.s32 @!p0 $0xFFFFF086;
	s6 =	sadd.s32 @!p0 s3, s7;
	s7 =	simm.s32 @!p0 $0x108  }
0x21: {  	s3 =	sadd.s32 s3, s9;
	s6 =	sadd.s32 @!p0 $0x88, s6;
	s7 =	simm.s32 @p2 $0x1082  }
0x22: {  	[simem:s7], [sflag:s8] =	dma.local @!p0 [hbm:s6], $0xF7A  }
0x23: {  	s9 =	sor.u32 $0xD0000000, s2;
	s6 =	simm.s32 $0x108;
	_ =	swait.ge @!p0 [sflag:s8], $0x0  }
0x24: {  	s3 =	sadd.s32 $0x88, s3;
	s6 =	simm.s32 @!p1 $0x1082;
	[sflag:s4] =	ssyncset.s32 $0xFFFFF086  }
0x25: {  	[simem:s6], [sflag:s4] =	dma.local [hbm:s3], $0xF7A  }
0x26: {  	[smem:$0x3F9D] =	sst s1;
	(tag) =	ssettag s2;
	_ =	strace s9  }
0x27: {  	s1 =	sld [smem:$0x3FAD]  }
0x28: {  	s2 =	sld [smem:$0x3FAE]  }
0x29: {  	s4 =	sld [smem:$0x3FB0]  }
0x2a: {  	p0 =	seq.s32 s5, $0x0;
	s5 =	sld [smem:$0x3FB1]  }
0x2b: {  	s6 =	sld [smem:$0x3FB2]  }
0x2c: {  	s7 =	sld [smem:$0x3FB3]  }
0x2d: {  	s3 =	simm.s32 $0x108;
	s8 =	sld [smem:$0x3FB4]  }
0x2e: {  	s3 =	simm.s32 @!p0 $0x1082;
	s9 =	sld [smem:$0x3FB5]  }
0x2f: {  	lr =	sadd.s32 s0, s3;
	s0 =	sld [smem:$0x3FAC]  }
0x30: {  	s3 =	sld [smem:$0x3FAF]  }
0x31: {  	[smem:$0x3FB8] =	sst s10  }
0x32: {  	s10 =	sld [smem:$0x3FB6];
	_ =	sdelay $0x3  }
0x33: {  	p0 =	seq.s32 s10, $0x1;
	s10 =	sld [smem:$0x3FB8];
	_ =	sdelay $0x3  }
0x34: {  	[smem:$0x3FB8] =	sst s10  }
0x35: {  	s10 =	sld [smem:$0x3FB7];
	_ =	sdelay $0x3  }
0x36: {  	p1 =	seq.s32 s10, $0x1;
	s10 =	sld [smem:$0x3FB8];
	_ =	sdelay $0x3  }
0x37: {  	[smem:$0x3FB8] =	sst s10  }
0x38: {  	s10 =	sld [smem:$0x3FB9]  }
0x39: {  	_ = 	snop;
	(pc) =	sbr.ind lr, $3  }
0x3a: {  	_ = 	snop  }
0x3b: {  	_ = 	snop  }
0x3c: {  	p2 =	seq.s32 s10, $0x1;
	s10 =	sld [smem:$0x3FB8]  }
0x3d: {  	_ =	shalt  }
0x3e: {  	_ =	shalt  }
0x3f: {  	_ =	shalt  }
0x40: {  	_ =	shalt  }
0x41: {  	_ =	shalt  }
0x42: {  	_ =	shalt  }
0x43: {  	_ =	shalt  }
0x44: {  	_ =	shalt  }
0x45: {  	_ =	shalt  }
0x46: {  	_ =	shalt  }
0x47: {  	_ =	shalt  }
0x48: {  	_ =	shalt  }
0x49: {  	_ =	shalt  }
0x4a: {  	_ =	shalt  }
0x4b: {  	_ =	shalt  }
0x4c: {  	_ =	shalt  }
0x4d: {  	_ =	shalt  }
0x4e: {  	_ =	shalt  }
0x4f: {  	_ =	shalt  }
0x50: {  	_ =	shalt  }
0x51: {  	_ =	shalt  }
0x52: {  	_ =	shalt  }
0x53: {  	_ =	shalt  }
0x54: {  	_ =	shalt  }
0x55: {  	_ =	shalt  }
0x56: {  	_ =	shalt  }
0x57: {  	_ =	shalt  }
0x58: {  	_ =	shalt  }
0x59: {  	_ =	shalt  }
0x5a: {  	_ =	shalt  }
0x5b: {  	_ =	shalt  }
0x5c: {  	_ =	shalt  }
0x5d: {  	_ =	shalt  }
0x5e: {  	_ =	shalt  }
0x5f: {  	_ =	shalt  }
0x60: {  	_ =	shalt  }
0x61: {  	_ =	shalt  }
0x62: {  	_ =	shalt  }
0x63: {  	_ =	shalt  }
0x64: {  	_ =	shalt  }
0x65: {  	_ =	shalt  }
0x66: {  	_ =	shalt  }
0x67: {  	_ =	shalt  }
0x68: {  	_ =	shalt  }
0x69: {  	_ =	shalt  }
0x6a: {  	_ =	shalt  }
0x6b: {  	_ =	shalt  }
0x6c: {  	_ =	shalt  }
0x6d: {  	_ =	shalt  }
0x6e: {  	_ =	shalt  }
0x6f: {  	_ =	shalt  }
0x70: {  	_ =	shalt  }
0x71: {  	_ =	shalt  }
0x72: {  	_ =	shalt  }
0x73: {  	_ =	shalt  }
0x74: {  	_ =	shalt  }
0x75: {  	_ =	shalt  }
0x76: {  	_ =	shalt  }
0x77: {  	_ =	shalt  }
0x78: {  	_ =	shalt  }
0x79: {  	_ =	shalt  }
0x7a: {  	_ =	shalt  }
0x7b: {  	_ =	shalt  }
0x7c: {  	_ =	shalt  }
0x7d: {  	_ =	shalt  }
0x7e: {  	_ =	shalt  }
0x7f: {  	_ =	shalt  }
0x80: {  	_ =	shalt  }
0x81: {  	_ =	shalt  }
0x82: {  	_ =	shalt  }
0x83: {  	_ =	shalt  }
0x84: {  	_ =	shalt  }
0x85: {  	_ =	shalt  }
0x86: {  	_ =	shalt  }
0x87: {  	_ =	shalt  }
.Lfunc_end0:
.L_simem_size_0:
called_computation_lowered:
.L_overlay_start_0:
0x88: {  	s2 =	sld [smem:$0x3FD9]  }
0x89: {  	s3 =	sld [smem:$0x3FFE];
	_ =	sdelay $0x1  }
0x8a: {  	s1 =	srdreg.scid  }
0x8b: {  	s0 =	sand.u32 $0x1, s1  }
0x8c: {  	s15 =	sshll.u32 s0, $0xA;
	s2 =	sadd.s32 s3, s2  }
0x8d: {  	s2 =	sadd.s32 s2, s15  }
0x8e: {  	[smem:$0x3FC4] =	sst s2  }
0x8f: {  	_ = 	snop  }
0x90: {  	s2 =	sld [smem:$0x3FD0];
	_ =	sdelay $0x2  }
0x91: {  	s4 =	simm.s32 $0xB;
	s16 =	simm.s32 $0x10  }
0x92: {  	[smem:s16], [sflag:s4] =	dma.local [hbm:s2], $0x1  }
0x93: {  	_ =	swait.eq [sflag:s4], $0x1  }
0x94: {  	[sflag:s4] =	ssyncset.done $0x0  }
0x95: {  	s17 =	sld [smem:$0x10];
	[sflag:s4] =	ssyncadd.s32 $0xFFFFFFFF  }
0x96: {  	s18 =	sld [smem:$0x12];
	(tm) =	ssettm $0x1  }
0x97: {  	s19 =	sld [smem:$0x3FFB];
	_ =	sdelay $0x3  }
0x98: {  	_ =	strace s19  }
0x99: {  	s2 =	sld [smem:$0x3FFC];
	_ =	sdelay $0x3  }
0x9a: {  	_ =	strace s2  }
0x9b: {  	s2 =	sld [smem:$0x3FFD];
	_ =	sdelay $0x3  }
0x9c: {  	_ =	strace s2  }
0x9d: {  	_ =	strace $0x8FFFFFFF  }
0x9e: {  	s20 =	sld [smem:$0x3FDB];
	_ =	sdelay $0x1  }
0x9f: {  	s5 =	simm.s32 $_scs_section_size  }
0xa0: {  	s6 =	simm.s32 $_size__tile_overlayer_lowered;
	s7 =	simm.s32 $_tile_overlayer_lowered  }
0xa1: {  	s8 =	simm.s32 $0x1BFF;
	s21 =	sshll.u32 s7, $0x1;
	s5 =	sadd.s32 s5, s20  }
0xa2: {  	s22 =	simm.s32 $0x0;
	s6 =	sshll.u32 s6, $0x1;
	s7 =	sadd.s32 s21, s5  }
0xa3: {  	[timem:s22], [sflag:s8] =	dma.local [hbm:s7], s6  }
0xa4: {  	_ =	swait.ge [sflag:s8], s6  }
0xa5: {  	s6 =	ssub.s32 $0x0, s6;
	[sflag:s8] =	ssyncset.done $0x0  }
0xa6: {  	[sflag:s8] =	ssyncadd.s32 s6;
	_ =	sdelay $0x1  }
0xa7: {  	s23 =	simm.s32 $0x1B8B  }
0xa8: {  	_ =	swait.ge [sflag:s23], $0x1  }
0xa9: {  	[sflag:s23] =	ssyncset.done $0x0  }
0xaa: {  	[sflag:s23] =	ssyncadd.s32 $0xFFFFFFFF  }
0xab: {  	s6 =	sld [smem:$0x0]  }
0xac: {  	s7 =	sand.u32 $0xFFFFFFFE, s1  }
0xad: {  	p0 =	sne.s32 s1, s7  }
0xae: {  	s7 =	sshll.u32 @p0 s7, $0xE  }
0xaf: {  	s7 =	sadd.s32 @p0 $0x11B8D, s7;
	s8 =	sshll.u32 @p0 s6, $0x11  }
0xb0: {  	s7 =	sor.u32 @p0 s8, s7  }
0xb1: {  	[sflag:s7] =	ssyncadd.remote.s32 @p0 $0x1;
	_ =	sdelay $0x1  }
0xb2: {  	s7 =	simm.s32 @p0 $0x1B8D  }
0xb3: {  	_ =	swait.eq @p0 [sflag:s7], $0x1  }
0xb4: {  	[sflag:s7] =	ssyncadd.s32 @p0 $0xFFFFFFFF  }
0xb5: {  	s8 =	sshll.u32 @!p0 s1, $0xE  }
0xb6: {  	s8 =	sor.u32 @!p0 $0x4000, s8;
	s7 =	simm.s32 @!p0 $0x1B8D  }
0xb7: {  	s6 =	sshll.u32 @!p0 s6, $0x11;
	s8 =	sadd.s32 @!p0 $0x11B8D, s8;
	_ =	swait.eq @!p0 [sflag:s7], $0x1  }
0xb8: {  	s6 =	sor.u32 @!p0 s6, s8;
	[sflag:s7] =	ssyncadd.s32 @!p0 $0xFFFFFFFF  }
0xb9: {  	s25 =	simm.s32 $0x1B8E;
	s24 =	sld [smem:$0x3FFE];
	[sflag:s6] =	ssyncadd.remote.s32 @!p0 $0x1  }
0xba: {  	s26 =	simm.s32 $execute0_lowered;
	[smem:$0x3FD2] =	sst s25  }
0xbb: {  	s7 =	sshll.u32 s26, $0x1;
	_ =	strace $0x80000049;
	[dreg:$0x1] =	wrdreg $0xFFFFFFFF  }
0xbc: {  	s28 =	simm.s32 $_size_execute0_lowered;
	s5 =	sadd.s32 s5, s7;
	[dreg:$0x0] =	wrdreg $0x0  }
0xbd: {  	s7 =	sshll.u32 s28, $0x1;
	[dreg:$0x2] =	wrdreg s5  }
0xbe: {  	[dreg:$0x3] =	wrdreg s7  }
0xbf: {  	[dreg:$0x4] =	wrdreg $0xC0  }
0xc0: {  	_ =	task [dreg:s22], $0x5FFFF  }
0xc1: {  	[dreg:$0x1] =	wrdreg $0xFFFFFFFF  }
0xc2: {  	[dreg:$0x0] =	wrdreg $0x60  }
0xc3: {  	[dreg:$0x2] =	wrdreg s17  }
0xc4: {  	[dreg:$0x3] =	wrdreg s18  }
0xc5: {  	[dreg:$0x4] =	wrdreg s24  }
0xc6: {  	[dreg:$0x5] =	wrdreg $0x9  }
0xc7: {  	_ =	task.clear_ibuf [dreg:s22], $0x6FFFF;
	_ =	strace $0x90000049  }
0xc8: {  	s29 =	simm.s32 $0x9;
	_ =	strace $0x8000004B  }
0xc9: {  	_ =	swait.ge [sflag:s29], $0x1  }
0xca: {  	[sflag:s29] =	ssyncadd.s32 $0xFFFFFFFF  }
0xcb: {  	_ =	strace $0x9000004B  }
0xcc: {  	_ =	sfence  }
0xcd: {  	s30 =	sld [smem:$0x0];
	_ =	sdelay $0x2  }
0xce: {  	s31 =	sshll.u32 s1, $0xD;
	s1 =	sshrl.u32 s1, $0x2  }
0xcf: {  	s4 =	sand.u32 $0x4000, s31;
	s1 =	sadd.s32 s1, s30  }
0xd0: {  	s0 =	sor.u32 s4, s0;
	s1 =	sshll.u32 s1, $0x11  }
0xd1: {  	s0 =	sor.u32 s1, s0  }
0xd2: {  	s0 =	sadd.s32 $0x8F2B, s0  }
0xd3: {  	[sflag:s0] =	ssyncadd.remote.s32 $0x1  }
0xd4: {  	_ =	sfence.sel $0xFFFF  }
0xd5: {  	[dreg:$0x0] =	wrdreg $0xFFFFFFFF;
	(pc) =	sbr.abs _section_cstart, $3  }
0xd6: {  	[dreg:$0x1] =	wrdreg $0xFFFFFFFF  }
0xd7: {  	_ =	task.clear_ibuf [dreg:s22], $0x2FFFF;
	_ =	strace $0x9FFFFFFF  }
0xd8: {  	(tm) =	ssettm $0x7FFFFFFF  }
0xd9: {  	_ =	shalt  }
tec
execute0_lowered:
.L_overlay_start_1:
0x0: {  	(tag) =	ssettag $0x1  }
0x1: {  	s1 =	rddreg [dreg:$0x0];
	s2 =	srdreg.scid  }
0x2: {  	s4 =	rddreg [dreg:$0x1];
	s0 =	stileid.u32  }
0x3: {  	s8 =	rddreg [dreg:$0x2];
	s3 =	simm.s32 $0x0;
	s6 =	sand.u32 $0x1, s2  }
0x4: {  	s5 =	sshll.u32 s0, $0x8;
	s2 =	rddreg [dreg:$0x3];
	s7 =	sshll.u32 s6, $0x7  }
0x5: {  	[smem:$0x7FF] =	sst s3;
	s9 =	sor.u32 s7, s5  }
0x6: {  	_ =	strace $0x8000004A;
	s10 =	ssub.s32 $0x2, s6;
	s5 =	sshrl.u32 s9, $0x3  }
0x7: {  	s6 =	simm.s32 $0x80;
	s5 =	sadd.s32 s4, s5;
	s4 =	simm.s32 $0x2  }
0x8: {  	[tilespmem:s3], [sflag:$0x2] =	stream.linear.gather [hbm4b:s5+s3], $0x80, $0x38;
	[tilespmem:$0x4080] =	vst v63  }
0x9: {  	s7 =	simm.s32 $0x1;
	s11 =	sshrl.u32 s10, $0x1;
	_ =	swait.ge [sflag:s4], $0x80  }
0xa: {  	s9 =	sshll.u32 s9, $0x4;
	s31 =	ssub.s32 s10, s11;
	[sflag:s4] =	ssyncset.done $0x0  }
0xb: {  	s8 =	sadd.s32 s9, s8;
	s9 =	smax.u32 s31, $0x1;
	[sflag:s4] =	ssyncadd.s32 $0xFFFFFF80  }
0xc: {  	[tilespmem:s6], [sflag:$0x1] =	stream.indirect.gather [hbm4b:s1+s6], $0x80, s3, s6, $0xb8;
	[tilespmem:$0x4080] =	vst v63  }
0xd: {  	p0 =	sne.s32 s9, $0x1;
	_ =	swait.ge [sflag:s7], $0x4000  }
.Ltmp0:
0xe: {  	[sflag:s7] =	ssyncset.done $0x0;
	(pc) =	sbr.rel @!p0 .LBB2_2-.Ltmp0, $4  }
0xf: {  	s8 =	sadd.s32 $0x92400, s8;
	[sflag:s7] =	ssyncadd.s32 $0xFFFFC000  }
0x10: {  	[hbm4b:s8+s3] =	stream.linear.scatter [tilespmem:s6], [sflag:$0x2], $0x4000, $0x38;
	[tilespmem:$0x4080] =	vst v63  }
0x11: {  	_ =	swait.ge [sflag:s4], $0x4000  }
0x12: {  	s9 =	sadd.s32 $0xFFFFFFFF, s9;
	[sflag:s4] =	ssyncset.done $0x0  }
.LBB2_1:
0x13: {  	p0 =	sne.s32 s9, $0x1;
	s9 =	sadd.s32 $0xFFFFFFFF, s9;
	[sflag:s4] =	ssyncadd.s32 $0xFFFFC000  }
0x14: {  	[tilespmem:s3], [sflag:$0x2] =	stream.linear.gather [hbm4b:s5+s3], $0x80, $0x38;
	[tilespmem:$0x4080] =	vst v63  }
0x15: {  	_ =	swait.ge [sflag:s4], $0x80  }
0x16: {  	[sflag:s4] =	ssyncset.done $0x0  }
0x17: {  	[sflag:s4] =	ssyncadd.s32 $0xFFFFFF80  }
0x18: {  	[tilespmem:s6], [sflag:$0x1] =	stream.indirect.gather [hbm4b:s1+s6], $0x80, s3, s6, $0xb8;
	[tilespmem:$0x4080] =	vst v63  }
0x19: {  	_ =	swait.ge [sflag:s7], $0x4000  }
.Ltmp1:
0x1a: {  	[sflag:s7] =	ssyncset.done $0x0;
	(pc) =	sbr.rel @p0 .LBB2_1-.Ltmp1, $4  }
0x1b: {  	[sflag:s7] =	ssyncadd.s32 $0xFFFFC000  }
0x1c: {  	[hbm4b:s8+s3] =	stream.linear.scatter [tilespmem:s6], [sflag:$0x2], $0x4000, $0x38;
	[tilespmem:$0x4080] =	vst v63  }
0x1d: {  	_ =	swait.ge [sflag:s4], $0x4000  }
0x1e: {  	[sflag:s4] =	ssyncset.done $0x0  }
.LBB2_2:
0x1f: {  	[sflag:s4] =	ssyncadd.s32 $0xFFFFC000  }
0x20: {  	_ =	sfence.sel $0x180000  }
0x21: {  	[bflag:$0x0] =	sbarrier.arrive $0xFFFF  }
0x22: {  	p0 =	sne.s32 s0, $0x0;
	_ =	strace $0x9000004A  }
0x23: {  	s0 =	sadd.s32 @!p0 $0x100000, s2;
	[bflag:$0x2] =	sbarrier.arrive $0xFFFF  }
0x24: {  	[sflag:s0] =	ssyncadd.tile.s32 @!p0 $0x1;
	_ =	shalt  }
.Lfunc_end2:
_tile_overlayer_lowered:
.L_overlay_start_2:
0x25: {  	(tag) =	ssettag $0x2  }
0x26: {  	s0 =	rddreg [dreg:$0x0];
	s2 =	stileid.u32  }
0x27: {  	s1 =	rddreg [dreg:$0x1];
	p0 =	sne.s32 s2, $0x0  }
0x28: {  	s3 =	rddreg [dreg:$0x2];
	[bflag:$0x3] =	sbarrier.arrive $0xFFFF;
	s2 =	simm.s32 @!p0 $0x1C02  }
0x29: {  	[timem:s3], [sflag:s2] =	dma.local @!p0 [hbm:s0], s1  }
0x2a: {  	s0 =	simm.s32 @!p0 $0x2  }
0x2b: {  	_ =	swait.ge @!p0 [sflag:s0], s1  }
0x2c: {  	s1 =	ssub.s32 @!p0 $0x0, s1;
	[sflag:s0] =	ssyncset.done @!p0 $0x0  }
0x2d: {  	[sflag:s0] =	ssyncadd.s32 @!p0 s1  }
0x2e: {  	[bflag:$0x3] =	sbarrier.arrive $0xFFFF  }
0x2f: {  	_ =	shalt  }

// kernel: kernel.9.cloned.1.call-start
scs
__scs_entry_jumppad:
0x0: {  	(pc) =	sbr.rel $0x88, $3  }
0x1: {  	(tag) =	ssettag $0x0;
	lr =	simm.s32 $0x1  }
0x2: {  	[smem:$0x3F9D] =	sst lr;
	_ =	strace $0xD0000000  }
0x3: {  	_ = 	snop  }
0x4: {  	_ = 	snop  }
0x5: {  	_ = 	snop  }
0x6: {  	_ = 	snop  }
0x7: {  	_ = 	snop  }
__scs_overlays_trampoline_lowered:
0x8: {  	[smem:$0x3FAC] =	sst s0  }
0x9: {  	[smem:$0x3FAD] =	sst s1  }
0xa: {  	[smem:$0x3FAE] =	sst s2  }
0xb: {  	[smem:$0x3FAF] =	sst s3  }
0xc: {  	[smem:$0x3FB0] =	sst s4  }
0xd: {  	[smem:$0x3FB1] =	sst s5  }
0xe: {  	[smem:$0x3FB2] =	sst s6  }
0xf: {  	[smem:$0x3FB3] =	sst s7  }
0x10: {  	[smem:$0x3FB4] =	sst s8  }
0x11: {  	[smem:$0x3FB5] =	sst s9;
	s0 =	simm.s32 @!p0 $0x0  }
0x12: {  	s1 =	sld [smem:$0x3F9B];
	s0 =	simm.s32 @p0 $0x1  }
0x13: {  	[smem:$0x3FB6] =	sst s0;
	s0 =	simm.s32 @!p1 $0x0  }
0x14: {  	s2 =	sld [smem:$0x3F9A];
	s0 =	simm.s32 @p1 $0x1  }
0x15: {  	[smem:$0x3FB7] =	sst s0;
	s0 =	simm.s32 @!p2 $0x0  }
0x16: {  	s3 =	sld [smem:$0x3FDB];
	s0 =	simm.s32 @p2 $0x1  }
0x17: {  	s4 =	simm.s32 $0x1BF5;
	[smem:$0x3FB9] =	sst s0  }
0x18: {  	s0 =	sld [smem:$0x3F9C];
	_ =	swait.ge [sflag:s4], $0x0  }
0x19: {  	s7 =	sld [smem:$0x3F9D]  }
0x1a: {  	s8 =	sadd.s32 $0xFFFFE003, lr  }
0x1b: {  	s9 =	sadd.s32 $0xFFFFFEF7, lr;
	s5 =	simm.s32 $0xFFFFFFFF;
	p2 =	slt.u32 s8, $0xFFFFF086  }
0x1c: {  	p1 =	slt.u32 s9, $0xF7A;
	s5 =	simm.s32 @!p2 $0x0  }
0x1d: {  	s5 =	simm.s32 @p1 $0x1;
	p0 =	seq.s32 s7, s2  }
0x1e: {  	s7 =	smul.u32 @!p0 $0xF7A, s2;
	p2 =	seq.s32 @!p0 s5, $0x0  }
0x1f: {  	s9 =	smul.u32 $0xF7A, s1;
	s8 =	simm.s32 @!p0 $0x1BF5;
	p2 =	por !p2, p0  }
0x20: {  	[sflag:s8] =	ssyncset.s32 @!p0 $0xFFFFF086;
	s6 =	sadd.s32 @!p0 s3, s7;
	s7 =	simm.s32 @!p0 $0x108  }
0x21: {  	s3 =	sadd.s32 s3, s9;
	s6 =	sadd.s32 @!p0 $0x88, s6;
	s7 =	simm.s32 @p2 $0x1082  }
0x22: {  	[simem:s7], [sflag:s8] =	dma.local @!p0 [hbm:s6], $0xF7A  }
0x23: {  	s9 =	sor.u32 $0xD0000000, s2;
	s6 =	simm.s32 $0x108;
	_ =	swait.ge @!p0 [sflag:s8], $0x0  }
0x24: {  	s3 =	sadd.s32 $0x88, s3;
	s6 =	simm.s32 @!p1 $0x1082;
	[sflag:s4] =	ssyncset.s32 $0xFFFFF086  }
0x25: {  	[simem:s6], [sflag:s4] =	dma.local [hbm:s3], $0xF7A  }
0x26: {  	[smem:$0x3F9D] =	sst s1;
	(tag) =	ssettag s2;
	_ =	strace s9  }
0x27: {  	s1 =	sld [smem:$0x3FAD]  }
0x28: {  	s2 =	sld [smem:$0x3FAE]  }
0x29: {  	s4 =	sld [smem:$0x3FB0]  }
0x2a: {  	p0 =	seq.s32 s5, $0x0;
	s5 =	sld [smem:$0x3FB1]  }
0x2b: {  	s6 =	sld [smem:$0x3FB2]  }
0x2c: {  	s7 =	sld [smem:$0x3FB3]  }
0x2d: {  	s3 =	simm.s32 $0x108;
	s8 =	sld [smem:$0x3FB4]  }
0x2e: {  	s3 =	simm.s32 @!p0 $0x1082;
	s9 =	sld [smem:$0x3FB5]  }
0x2f: {  	lr =	sadd.s32 s0, s3;
	s0 =	sld [smem:$0x3FAC]  }
0x30: {  	s3 =	sld [smem:$0x3FAF]  }
0x31: {  	[smem:$0x3FB8] =	sst s10  }
0x32: {  	s10 =	sld [smem:$0x3FB6];
	_ =	sdelay $0x3  }
0x33: {  	p0 =	seq.s32 s10, $0x1;
	s10 =	sld [smem:$0x3FB8];
	_ =	sdelay $0x3  }
0x34: {  	[smem:$0x3FB8] =	sst s10  }
0x35: {  	s10 =	sld [smem:$0x3FB7];
	_ =	sdelay $0x3  }
0x36: {  	p1 =	seq.s32 s10, $0x1;
	s10 =	sld [smem:$0x3FB8];
	_ =	sdelay $0x3  }
0x37: {  	[smem:$0x3FB8] =	sst s10  }
0x38: {  	s10 =	sld [smem:$0x3FB9]  }
0x39: {  	_ = 	snop;
	(pc) =	sbr.ind lr, $3  }
0x3a: {  	_ = 	snop  }
0x3b: {  	_ = 	snop  }
0x3c: {  	p2 =	seq.s32 s10, $0x1;
	s10 =	sld [smem:$0x3FB8]  }
0x3d: {  	_ =	shalt  }
0x3e: {  	_ =	shalt  }
0x3f: {  	_ =	shalt  }
0x40: {  	_ =	shalt  }
0x41: {  	_ =	shalt  }
0x42: {  	_ =	shalt  }
0x43: {  	_ =	shalt  }
0x44: {  	_ =	shalt  }
0x45: {  	_ =	shalt  }
0x46: {  	_ =	shalt  }
0x47: {  	_ =	shalt  }
0x48: {  	_ =	shalt  }
0x49: {  	_ =	shalt  }
0x4a: {  	_ =	shalt  }
0x4b: {  	_ =	shalt  }
0x4c: {  	_ =	shalt  }
0x4d: {  	_ =	shalt  }
0x4e: {  	_ =	shalt  }
0x4f: {  	_ =	shalt  }
0x50: {  	_ =	shalt  }
0x51: {  	_ =	shalt  }
0x52: {  	_ =	shalt  }
0x53: {  	_ =	shalt  }
0x54: {  	_ =	shalt  }
0x55: {  	_ =	shalt  }
0x56: {  	_ =	shalt  }
0x57: {  	_ =	shalt  }
0x58: {  	_ =	shalt  }
0x59: {  	_ =	shalt  }
0x5a: {  	_ =	shalt  }
0x5b: {  	_ =	shalt  }
0x5c: {  	_ =	shalt  }
0x5d: {  	_ =	shalt  }
0x5e: {  	_ =	shalt  }
0x5f: {  	_ =	shalt  }
0x60: {  	_ =	shalt  }
0x61: {  	_ =	shalt  }
0x62: {  	_ =	shalt  }
0x63: {  	_ =	shalt  }
0x64: {  	_ =	shalt  }
0x65: {  	_ =	shalt  }
0x66: {  	_ =	shalt  }
0x67: {  	_ =	shalt  }
0x68: {  	_ =	shalt  }
0x69: {  	_ =	shalt  }
0x6a: {  	_ =	shalt  }
0x6b: {  	_ =	shalt  }
0x6c: {  	_ =	shalt  }
0x6d: {  	_ =	shalt  }
0x6e: {  	_ =	shalt  }
0x6f: {  	_ =	shalt  }
0x70: {  	_ =	shalt  }
0x71: {  	_ =	shalt  }
0x72: {  	_ =	shalt  }
0x73: {  	_ =	shalt  }
0x74: {  	_ =	shalt  }
0x75: {  	_ =	shalt  }
0x76: {  	_ =	shalt  }
0x77: {  	_ =	shalt  }
0x78: {  	_ =	shalt  }
0x79: {  	_ =	shalt  }
0x7a: {  	_ =	shalt  }
0x7b: {  	_ =	shalt  }
0x7c: {  	_ =	shalt  }
0x7d: {  	_ =	shalt  }
0x7e: {  	_ =	shalt  }
0x7f: {  	_ =	shalt  }
0x80: {  	_ =	shalt  }
0x81: {  	_ =	shalt  }
0x82: {  	_ =	shalt  }
0x83: {  	_ =	shalt  }
0x84: {  	_ =	shalt  }
0x85: {  	_ =	shalt  }
0x86: {  	_ =	shalt  }
0x87: {  	_ =	shalt  }
.Lfunc_end0:
.L_simem_size_0:
called_computation.1_lowered:
.L_overlay_start_0:
0x88: {  	s2 =	sld [smem:$0x3FD9]  }
0x89: {  	s3 =	sld [smem:$0x3FFE];
	_ =	sdelay $0x1  }
0x8a: {  	s1 =	srdreg.scid  }
0x8b: {  	s0 =	sand.u32 $0x1, s1  }
0x8c: {  	s14 =	sshll.u32 s0, $0xA;
	s2 =	sadd.s32 s3, s2  }
0x8d: {  	s2 =	sadd.s32 s2, s14  }
0x8e: {  	[smem:$0x3FC4] =	sst s2  }
0x8f: {  	_ = 	snop  }
0x90: {  	s2 =	sld [smem:$0x3FD0];
	_ =	sdelay $0x2  }
0x91: {  	s15 =	simm.s32 $0xB;
	s4 =	simm.s32 $0x10  }
0x92: {  	[smem:s4], [sflag:s15] =	dma.local [hbm:s2], $0x1  }
0x93: {  	_ =	swait.eq [sflag:s15], $0x1  }
0x94: {  	[sflag:s15] =	ssyncset.done $0x0  }
0x95: {  	s16 =	sld [smem:$0x10];
	[sflag:s15] =	ssyncadd.s32 $0xFFFFFFFF  }
0x96: {  	s17 =	sld [smem:$0x11];
	(tm) =	ssettm $0x1  }
0x97: {  	s18 =	sld [smem:$0x3FFB];
	_ =	sdelay $0x3  }
0x98: {  	_ =	strace s18  }
0x99: {  	s4 =	sld [smem:$0x3FFC];
	_ =	sdelay $0x3  }
0x9a: {  	_ =	strace s4  }
0x9b: {  	s4 =	sld [smem:$0x3FFD];
	_ =	sdelay $0x3  }
0x9c: {  	_ =	strace s4  }
0x9d: {  	_ =	strace $0x8FFFFFFF  }
0x9e: {  	s19 =	sld [smem:$0x3FDB];
	_ =	sdelay $0x1  }
0x9f: {  	s5 =	simm.s32 $_scs_section_size  }
0xa0: {  	s6 =	simm.s32 $_size__tile_overlayer_lowered;
	s7 =	simm.s32 $_tile_overlayer_lowered  }
0xa1: {  	s22 =	simm.s32 $0x1BFF;
	s21 =	sshll.u32 s7, $0x1;
	s4 =	sadd.s32 s5, s19  }
0xa2: {  	s8 =	simm.s32 $0x0;
	s20 =	sshll.u32 s6, $0x1;
	s6 =	sadd.s32 s21, s4  }
0xa3: {  	[timem:s8], [sflag:s22] =	dma.local [hbm:s6], s20  }
0xa4: {  	_ =	swait.ge [sflag:s22], s20  }
0xa5: {  	s5 =	ssub.s32 $0x0, s20;
	[sflag:s22] =	ssyncset.done $0x0  }
0xa6: {  	[sflag:s22] =	ssyncadd.s32 s5;
	_ =	sdelay $0x1  }
0xa7: {  	s23 =	simm.s32 $0x1B8B  }
0xa8: {  	_ =	swait.ge [sflag:s23], $0x1  }
0xa9: {  	[sflag:s23] =	ssyncset.done $0x0  }
0xaa: {  	s25 =	simm.s32 $0x1B8E;
	s24 =	sld [smem:$0x3FFE];
	[sflag:s23] =	ssyncadd.s32 $0xFFFFFFFF  }
0xab: {  	s26 =	simm.s32 $execute0_lowered;
	[smem:$0x3FD2] =	sst s25  }
0xac: {  	s6 =	sshll.u32 s26, $0x1;
	_ =	strace $0x80000046;
	[dreg:$0x1] =	wrdreg $0xFFFFFFFF  }
0xad: {  	s28 =	simm.s32 $_size_execute0_lowered;
	s4 =	sadd.s32 s4, s6;
	[dreg:$0x0] =	wrdreg $0x0  }
0xae: {  	s6 =	sshll.u32 s28, $0x1;
	[dreg:$0x2] =	wrdreg s4  }
0xaf: {  	[dreg:$0x3] =	wrdreg s6  }
0xb0: {  	[dreg:$0x4] =	wrdreg $0xC0  }
0xb1: {  	_ =	task [dreg:s8], $0x5FFFF  }
0xb2: {  	[dreg:$0x1] =	wrdreg $0xFFFFFFFF  }
0xb3: {  	[dreg:$0x0] =	wrdreg $0x60  }
0xb4: {  	[dreg:$0x2] =	wrdreg s16  }
0xb5: {  	[dreg:$0x3] =	wrdreg s17  }
0xb6: {  	[dreg:$0x4] =	wrdreg s24  }
0xb7: {  	[dreg:$0x5] =	wrdreg $0xA  }
0xb8: {  	_ =	task.clear_ibuf [dreg:s8], $0x6FFFF;
	_ =	strace $0x90000046  }
0xb9: {  	s29 =	simm.s32 $0xA;
	_ =	strace $0x80000048  }
0xba: {  	_ =	swait.ge [sflag:s29], $0x1  }
0xbb: {  	[sflag:s29] =	ssyncadd.s32 $0xFFFFFFFF  }
0xbc: {  	_ =	strace $0x90000048  }
0xbd: {  	_ =	sfence  }
0xbe: {  	s30 =	sld [smem:$0x0];
	_ =	sdelay $0x2  }
0xbf: {  	s31 =	sshll.u32 s1, $0xD;
	s1 =	sshrl.u32 s1, $0x2  }
0xc0: {  	s3 =	sand.u32 $0x4000, s31;
	s1 =	sadd.s32 s1, s30  }
0xc1: {  	s0 =	sor.u32 s3, s0;
	s1 =	sshll.u32 s1, $0x11  }
0xc2: {  	s0 =	sor.u32 s1, s0  }
0xc3: {  	s0 =	sadd.s32 $0x8F2B, s0  }
0xc4: {  	[sflag:s0] =	ssyncadd.remote.s32 $0x1  }
0xc5: {  	_ =	sfence.sel $0xFFFF  }
0xc6: {  	[dreg:$0x0] =	wrdreg $0xFFFFFFFF;
	(pc) =	sbr.abs _section_cstart, $3  }
0xc7: {  	[dreg:$0x1] =	wrdreg $0xFFFFFFFF  }
0xc8: {  	_ =	task.clear_ibuf [dreg:s8], $0x2FFFF;
	_ =	strace $0x9FFFFFFF  }
0xc9: {  	(tm) =	ssettm $0x7FFFFFFF  }
tec
execute0_lowered:
.L_overlay_start_1:
0x0: {  	(tag) =	ssettag $0x1  }
0x1: {  	s1 =	rddreg [dreg:$0x0];
	s2 =	srdreg.scid  }
0x2: {  	s4 =	rddreg [dreg:$0x1];
	s0 =	stileid.u32  }
0x3: {  	s8 =	rddreg [dreg:$0x2];
	s3 =	simm.s32 $0x0;
	s6 =	sand.u32 $0x1, s2  }
0x4: {  	s5 =	sshll.u32 s0, $0x8;
	s2 =	rddreg [dreg:$0x3];
	s7 =	sshll.u32 s6, $0x7  }
0x5: {  	[smem:$0x7FF] =	sst s3;
	s9 =	sor.u32 s7, s5  }
0x6: {  	_ =	strace $0x80000047;
	s10 =	ssub.s32 $0x2, s6;
	s5 =	sshrl.u32 s9, $0x3  }
0x7: {  	s6 =	simm.s32 $0x80;
	s5 =	sadd.s32 s4, s5;
	s4 =	simm.s32 $0x2  }
0x8: {  	[tilespmem:s3], [sflag:$0x2] =	stream.linear.gather [hbm4b:s5+s3], $0x80, $0x38;
	[tilespmem:$0x4080] =	vst v63  }
0x9: {  	s7 =	simm.s32 $0x1;
	s11 =	sshrl.u32 s10, $0x1;
	_ =	swait.ge [sflag:s4], $0x80  }
0xa: {  	s9 =	sshll.u32 s9, $0x4;
	s31 =	ssub.s32 s10, s11;
	[sflag:s4] =	ssyncset.done $0x0  }
0xb: {  	s8 =	sadd.s32 s9, s8;
	s9 =	smax.u32 s31, $0x1;
	[sflag:s4] =	ssyncadd.s32 $0xFFFFFF80  }
0xc: {  	[tilespmem:s6], [sflag:$0x1] =	stream.indirect.gather [hbm4b:s1+s6], $0x80, s3, s6, $0xb8;
	[tilespmem:$0x4080] =	vst v63  }
0xd: {  	p0 =	sne.s32 s9, $0x1;
	_ =	swait.ge [sflag:s7], $0x4000  }
.Ltmp0:
0xe: {  	[sflag:s7] =	ssyncset.done $0x0;
	(pc) =	sbr.rel @!p0 .LBB2_2-.Ltmp0, $4  }
0xf: {  	s8 =	sadd.s32 $0x82400, s8;
	[sflag:s7] =	ssyncadd.s32 $0xFFFFC000  }
0x10: {  	[hbm4b:s8+s3] =	stream.linear.scatter [tilespmem:s6], [sflag:$0x2], $0x4000, $0x38;
	[tilespmem:$0x4080] =	vst v63  }
0x11: {  	_ =	swait.ge [sflag:s4], $0x4000  }
0x12: {  	s9 =	sadd.s32 $0xFFFFFFFF, s9;
	[sflag:s4] =	ssyncset.done $0x0  }
.LBB2_1:
0x13: {  	p0 =	sne.s32 s9, $0x1;
	s9 =	sadd.s32 $0xFFFFFFFF, s9;
	[sflag:s4] =	ssyncadd.s32 $0xFFFFC000  }
0x14: {  	[tilespmem:s3], [sflag:$0x2] =	stream.linear.gather [hbm4b:s5+s3], $0x80, $0x38;
	[tilespmem:$0x4080] =	vst v63  }
0x15: {  	_ =	swait.ge [sflag:s4], $0x80  }
0x16: {  	[sflag:s4] =	ssyncset.done $0x0  }
0x17: {  	[sflag:s4] =	ssyncadd.s32 $0xFFFFFF80  }
0x18: {  	[tilespmem:s6], [sflag:$0x1] =	stream.indirect.gather [hbm4b:s1+s6], $0x80, s3, s6, $0xb8;
	[tilespmem:$0x4080] =	vst v63  }
0x19: {  	_ =	swait.ge [sflag:s7], $0x4000  }
.Ltmp1:
0x1a: {  	[sflag:s7] =	ssyncset.done $0x0;
	(pc) =	sbr.rel @p0 .LBB2_1-.Ltmp1, $4  }
0x1b: {  	[sflag:s7] =	ssyncadd.s32 $0xFFFFC000  }
0x1c: {  	[hbm4b:s8+s3] =	stream.linear.scatter [tilespmem:s6], [sflag:$0x2], $0x4000, $0x38;
	[tilespmem:$0x4080] =	vst v63  }
0x1d: {  	_ =	swait.ge [sflag:s4], $0x4000  }
0x1e: {  	[sflag:s4] =	ssyncset.done $0x0  }
.LBB2_2:
0x1f: {  	[sflag:s4] =	ssyncadd.s32 $0xFFFFC000  }
0x20: {  	_ =	sfence.sel $0x180000  }
0x21: {  	[bflag:$0x0] =	sbarrier.arrive $0xFFFF  }
0x22: {  	p0 =	sne.s32 s0, $0x0;
	_ =	strace $0x90000047  }
0x23: {  	s0 =	sadd.s32 @!p0 $0x100000, s2;
	[bflag:$0x2] =	sbarrier.arrive $0xFFFF  }
0x24: {  	[sflag:s0] =	ssyncadd.tile.s32 @!p0 $0x1;
	_ =	shalt  }
.Lfunc_end2:
_tile_overlayer_lowered:
.L_overlay_start_2:
0x25: {  	(tag) =	ssettag $0x2  }
0x26: {  	s0 =	rddreg [dreg:$0x0];
	s2 =	stileid.u32  }
0x27: {  	s1 =	rddreg [dreg:$0x1];
	p0 =	sne.s32 s2, $0x0  }
0x28: {  	s3 =	rddreg [dreg:$0x2];
	[bflag:$0x3] =	sbarrier.arrive $0xFFFF;
	s2 =	simm.s32 @!p0 $0x1C02  }
0x29: {  	[timem:s3], [sflag:s2] =	dma.local @!p0 [hbm:s0], s1  }
0x2a: {  	s0 =	simm.s32 @!p0 $0x2  }
0x2b: {  	_ =	swait.ge @!p0 [sflag:s0], s1  }
0x2c: {  	s1 =	ssub.s32 @!p0 $0x0, s1;
	[sflag:s0] =	ssyncset.done @!p0 $0x0  }
0x2d: {  	[sflag:s0] =	ssyncadd.s32 @!p0 s1  }
0x2e: {  	[bflag:$0x3] =	sbarrier.arrive $0xFFFF  }
0x2f: {  	_ =	shalt  }

</sc_bundles>
